<compile_context>
chip_gen: v7x
topology: tpu7x:2x2x1
jax: 0.10.2.dev20260603
libtpu: 0.0.44.dev20260713+nightly
codegen_flags: <defaults>
</compile_context>

<pallas_src>
import functools

import jax
import jax.numpy as jnp
from jax import lax
from jax.experimental import pallas as pl
from jax.experimental.pallas import tpu as pltpu
from jax.experimental.pallas import tpu_sc as plsc

_N = 512
_K = 64
_TEMP = 1.0
_L = 16
_NS = 16
_CHUNK = _L


_GDN = jax.lax.GatherDimensionNumbers(
    offset_dims=(), collapsed_slice_dims=(0,), start_index_map=(0,))


def _take16(v, idx):
    return lax.gather(v, idx[:, None], _GDN, (1,),
                      mode=lax.GatherScatterMode.PROMISE_IN_BOUNDS)


def _topk_gate_body(probs_hbm, out_hbm, probs_v, out_v):
    wid = lax.axis_index("s")
    base = wid * (2 * _L)
    cown = 2 * wid

    pltpu.sync_copy(probs_hbm, probs_v)

    my0 = probs_v[pl.ds(base, _L)]
    my1 = probs_v[pl.ds(base + _L, _L)]
    lane = lax.iota(jnp.int32, _L)
    rot_idx = [(lane + r) & (_L - 1) for r in range(_L)]
    zero = jnp.zeros((_L,), jnp.int32)
    one, nil = jnp.int32(1), jnp.int32(0)

    def mk_sweep(cmp0, cmp1):
        def sweep(c, carry):
            rank0, rank1 = carry
            ch = probs_v[pl.ds(c * _CHUNK, _CHUNK)]
            a0 = [zero, zero]
            a1 = [zero, zero]
            for r in range(_CHUNK):
                rot = _take16(ch, rot_idx[r])
                a0[r % 2] = a0[r % 2] + jnp.where(cmp0(rot), one, nil)
                a1[r % 2] = a1[r % 2] + jnp.where(cmp1(rot), one, nil)
            return rank0 + a0[0] + a0[1], rank1 + a1[0] + a1[1]
        return sweep

    carry = lax.fori_loop(0, cown,
                          mk_sweep(lambda rot: rot >= my0,
                                   lambda rot: rot >= my1), (zero, zero))
    carry = lax.fori_loop(cown + 2, _N // _CHUNK,
                          mk_sweep(lambda rot: rot > my0,
                                   lambda rot: rot > my1), carry)
    rank0, rank1 = carry

    a0 = [zero, zero]
    a1 = [zero, zero]
    for r in range(_CHUNK):
        rotA = _take16(my0, rot_idx[r])
        rotB = _take16(my1, rot_idx[r])
        if r > 0:
            b0 = (rotA > my0) | ((rotA == my0) & (rot_idx[r] < lane))
            b1 = (rotB > my1) | ((rotB == my1) & (rot_idx[r] < lane))
            a0[r % 2] = a0[r % 2] + jnp.where(b0, one, nil)
            a1[r % 2] = a1[r % 2] + jnp.where(b1, one, nil)
        a0[r % 2] = a0[r % 2] + jnp.where(rotB > my0, one, nil)
        a1[r % 2] = a1[r % 2] + jnp.where(rotA >= my1, one, nil)
    rank0 = rank0 + a0[0] + a0[1]
    rank1 = rank1 + a1[0] + a1[1]

    gate0 = jnp.where(rank0 < _K, jnp.float32(1.0), jnp.float32(0.0))
    gate1 = jnp.where(rank1 < _K, jnp.float32(1.0), jnp.float32(0.0))
    out_v[pl.ds(0, _L)] = (gate0 + my0) - my0
    out_v[pl.ds(_L, _L)] = (gate1 + my1) - my1
    pltpu.sync_copy(out_v, out_hbm.at[pl.ds(base, 2 * _L)])


@functools.cache
def _build_topk_gate():
    return functools.partial(
        pl.kernel,
        out_type=jax.ShapeDtypeStruct((_N,), jnp.float32),
        mesh=plsc.VectorSubcoreMesh(core_axis_name="c", subcore_axis_name="s",
                                    num_cores=1, num_subcores=_NS),
        scratch_types=[
            pltpu.VMEM((_N,), jnp.float32),
            pltpu.VMEM((2 * _L,), jnp.float32),
        ],
    )(_topk_gate_body)


def kernel(feature_logits):
    temperature = max(float(_TEMP), 0.001)
    probs = jax.nn.sigmoid(feature_logits / temperature)
    return _build_topk_gate()(probs)

# --- scband reference (transcript-rebuilt; emitter-appended) ---
"""Pipeline reference for scband-dependency-aware-feature-selector-24172075941925 (READ-ONLY COPY).

The authoritative reference and input builder live on the scoring server;
editing this copy changes nothing except your own understanding.
"""

import jax, jax.numpy as jnp
import numpy as np

NUM_FEATURES = 512
TOP_K = 64          # Config.generator_backbone_top_k (assumed)
TEMPERATURE = 1.0   # Config.generator_feature_selection_temperature (assumed)


def setup_inputs(seed: int = 0) -> dict:
    key = jax.random.key(seed)
    # learned parameter: feature_logits ~ randn(num_features) * 0.01
    feature_logits = jax.random.normal(key, (NUM_FEATURES,), dtype=jnp.float32) * 0.01
    return {"feature_logits": feature_logits}


def reference(feature_logits):
    # probabilities()
    temperature = max(float(TEMPERATURE), 0.001)
    probs = jax.nn.sigmoid(feature_logits / temperature)
    # gates()
    top_k = max(1, min(int(TOP_K), NUM_FEATURES))
    if top_k >= NUM_FEATURES:
        return jnp.ones_like(probs)
    _, primary_indices = jax.lax.top_k(probs, top_k)
    # expand_indices: no feature_dependencies configured, so the expanded set
    # is exactly the sorted primary indices
    expanded = jnp.sort(primary_indices)
    hard_gates = jnp.zeros_like(probs).at[expanded].set(1.0)
    # straight-through estimator: hard gates forward, soft probs gradient
    return hard_gates + probs - jax.lax.stop_gradient(probs)

if __name__ == "__main__":
    import jax
    _d = setup_inputs()
    print(jax.jit(kernel)(*tuple(_d.values())))

</pallas_src>

<mosaic_0001>
#map = affine_map<(d0, d1) -> (0)>
module attributes {stable_mosaic.version = 14 : i64} {
  func.func @_topk_gate_body(%arg0: i32, %arg1: i32, %arg2: memref<512xf32, #tpu.memory_space<hbm>>, %arg3: memref<512xf32, #tpu.memory_space<hbm>>, %arg4: memref<512xf32, #tpu.memory_space<vmem>>, %arg5: memref<32xf32, #tpu.memory_space<vmem>>) attributes {dimension_semantics = [#tpu.dimension_semantics<core_parallel>, #tpu.dimension_semantics<subcore_parallel>], iteration_bounds = array<i64: 1, 16>, scalar_prefetch = 0 : i64, scratch_operands = 2 : i64, tpu.core_type = #tpu.core_type<sc_vector_subcore>, window_params = [{transform_indices = #map}, {transform_indices = #map}]} {
    %mul3A = arith.constant 32 : i32
    %mul3A_0 = arith.muli %arg1, %mul3A : i32
    %mul3A_1 = arith.constant 2 : i32
    %mul3A_2 = arith.muli %mul3A_1, %arg1 : i32
    "tpu.region"() ({
      %run_scoped3A = tpu.sem_alloc : memref<!tpu.dma_semaphore, #tpu.memory_space<semaphore_mem>>
      tpu.enqueue_dma source(%arg2 : memref<512xf32, #tpu.memory_space<hbm>>) target(%arg4 : memref<512xf32, #tpu.memory_space<vmem>>) target_semaphore(%run_scoped3A : memref<!tpu.dma_semaphore, #tpu.memory_space<semaphore_mem>>)
      tpu.wait_dma2 semaphore(%run_scoped3A : memref<!tpu.dma_semaphore, #tpu.memory_space<semaphore_mem>>) src(%arg2 : memref<512xf32, #tpu.memory_space<hbm>>) dst(%arg4 : memref<512xf32, #tpu.memory_space<vmem>>)
      tpu.yield
    }) : () -> ()
    %get3A = arith.index_cast %mul3A_0 : i32 to index
    %get3A_3 = tpu.vector_load %arg4[%get3A] {strides = array<i32>} : memref<512xf32, #tpu.memory_space<vmem>>, vector<16xf32>,
    %get3A_4 = vector.shape_cast %get3A_3 : vector<16xf32> to vector<16xf32>
    %add3A = arith.constant 16 : i32
    %add3A_5 = arith.addi %mul3A_0, %add3A : i32
    %get3A_6 = arith.index_cast %add3A_5 : i32 to index
    %get3A_7 = tpu.vector_load %arg4[%get3A_6] {strides = array<i32>} : memref<512xf32, #tpu.memory_space<vmem>>, vector<16xf32>,
    %get3A_8 = vector.shape_cast %get3A_7 : vector<16xf32> to vector<16xf32>
    %iota3A = tpu.iota {dimensions = array<i32: 0>} : vector<16xi32>
    %add3A_9 = arith.constant 0 : i32
    %add3A_10 = vector.broadcast %add3A_9 : i32 to vector<16xi32>
    %add3A_11 = arith.addi %iota3A, %add3A_10 : vector<16xi32>
    %and3A = arith.constant 15 : i32
    %and3A_12 = vector.broadcast %and3A : i32 to vector<16xi32>
    %and3A_13 = arith.andi %add3A_11, %and3A_12 : vector<16xi32>
    %add3A_14 = arith.constant 1 : i32
    %add3A_15 = vector.broadcast %add3A_14 : i32 to vector<16xi32>
    %add3A_16 = arith.addi %iota3A, %add3A_15 : vector<16xi32>
    %and3A_17 = arith.constant 15 : i32
    %and3A_18 = vector.broadcast %and3A_17 : i32 to vector<16xi32>
    %and3A_19 = arith.andi %add3A_16, %and3A_18 : vector<16xi32>
    %add3A_20 = arith.constant 2 : i32
    %add3A_21 = vector.broadcast %add3A_20 : i32 to vector<16xi32>
    %add3A_22 = arith.addi %iota3A, %add3A_21 : vector<16xi32>
    %and3A_23 = arith.constant 15 : i32
    %and3A_24 = vector.broadcast %and3A_23 : i32 to vector<16xi32>
    %and3A_25 = arith.andi %add3A_22, %and3A_24 : vector<16xi32>
    %add3A_26 = arith.constant 3 : i32
    %add3A_27 = vector.broadcast %add3A_26 : i32 to vector<16xi32>
    %add3A_28 = arith.addi %iota3A, %add3A_27 : vector<16xi32>
    %and3A_29 = arith.constant 15 : i32
    %and3A_30 = vector.broadcast %and3A_29 : i32 to vector<16xi32>
    %and3A_31 = arith.andi %add3A_28, %and3A_30 : vector<16xi32>
    %add3A_32 = arith.constant 4 : i32
    %add3A_33 = vector.broadcast %add3A_32 : i32 to vector<16xi32>
    %add3A_34 = arith.addi %iota3A, %add3A_33 : vector<16xi32>
    %and3A_35 = arith.constant 15 : i32
    %and3A_36 = vector.broadcast %and3A_35 : i32 to vector<16xi32>
    %and3A_37 = arith.andi %add3A_34, %and3A_36 : vector<16xi32>
    %add3A_38 = arith.constant 5 : i32
    %add3A_39 = vector.broadcast %add3A_38 : i32 to vector<16xi32>
    %add3A_40 = arith.addi %iota3A, %add3A_39 : vector<16xi32>
    %and3A_41 = arith.constant 15 : i32
    %and3A_42 = vector.broadcast %and3A_41 : i32 to vector<16xi32>
    %and3A_43 = arith.andi %add3A_40, %and3A_42 : vector<16xi32>
    %add3A_44 = arith.constant 6 : i32
    %add3A_45 = vector.broadcast %add3A_44 : i32 to vector<16xi32>
    %add3A_46 = arith.addi %iota3A, %add3A_45 : vector<16xi32>
    %and3A_47 = arith.constant 15 : i32
    %and3A_48 = vector.broadcast %and3A_47 : i32 to vector<16xi32>
    %and3A_49 = arith.andi %add3A_46, %and3A_48 : vector<16xi32>
    %add3A_50 = arith.constant 7 : i32
    %add3A_51 = vector.broadcast %add3A_50 : i32 to vector<16xi32>
    %add3A_52 = arith.addi %iota3A, %add3A_51 : vector<16xi32>
    %and3A_53 = arith.constant 15 : i32
    %and3A_54 = vector.broadcast %and3A_53 : i32 to vector<16xi32>
    %and3A_55 = arith.andi %add3A_52, %and3A_54 : vector<16xi32>
    %add3A_56 = arith.constant 8 : i32
    %add3A_57 = vector.broadcast %add3A_56 : i32 to vector<16xi32>
    %add3A_58 = arith.addi %iota3A, %add3A_57 : vector<16xi32>
    %and3A_59 = arith.constant 15 : i32
    %and3A_60 = vector.broadcast %and3A_59 : i32 to vector<16xi32>
    %and3A_61 = arith.andi %add3A_58, %and3A_60 : vector<16xi32>
    %add3A_62 = arith.constant 9 : i32
    %add3A_63 = vector.broadcast %add3A_62 : i32 to vector<16xi32>
    %add3A_64 = arith.addi %iota3A, %add3A_63 : vector<16xi32>
    %and3A_65 = arith.constant 15 : i32
    %and3A_66 = vector.broadcast %and3A_65 : i32 to vector<16xi32>
    %and3A_67 = arith.andi %add3A_64, %and3A_66 : vector<16xi32>
    %add3A_68 = arith.constant 10 : i32
    %add3A_69 = vector.broadcast %add3A_68 : i32 to vector<16xi32>
    %add3A_70 = arith.addi %iota3A, %add3A_69 : vector<16xi32>
    %and3A_71 = arith.constant 15 : i32
    %and3A_72 = vector.broadcast %and3A_71 : i32 to vector<16xi32>
    %and3A_73 = arith.andi %add3A_70, %and3A_72 : vector<16xi32>
    %add3A_74 = arith.constant 11 : i32
    %add3A_75 = vector.broadcast %add3A_74 : i32 to vector<16xi32>
    %add3A_76 = arith.addi %iota3A, %add3A_75 : vector<16xi32>
    %and3A_77 = arith.constant 15 : i32
    %and3A_78 = vector.broadcast %and3A_77 : i32 to vector<16xi32>
    %and3A_79 = arith.andi %add3A_76, %and3A_78 : vector<16xi32>
    %add3A_80 = arith.constant 12 : i32
    %add3A_81 = vector.broadcast %add3A_80 : i32 to vector<16xi32>
    %add3A_82 = arith.addi %iota3A, %add3A_81 : vector<16xi32>
    %and3A_83 = arith.constant 15 : i32
    %and3A_84 = vector.broadcast %and3A_83 : i32 to vector<16xi32>
    %and3A_85 = arith.andi %add3A_82, %and3A_84 : vector<16xi32>
    %add3A_86 = arith.constant 13 : i32
    %add3A_87 = vector.broadcast %add3A_86 : i32 to vector<16xi32>
    %add3A_88 = arith.addi %iota3A, %add3A_87 : vector<16xi32>
    %and3A_89 = arith.constant 15 : i32
    %and3A_90 = vector.broadcast %and3A_89 : i32 to vector<16xi32>
    %and3A_91 = arith.andi %add3A_88, %and3A_90 : vector<16xi32>
    %add3A_92 = arith.constant 14 : i32
    %add3A_93 = vector.broadcast %add3A_92 : i32 to vector<16xi32>
    %add3A_94 = arith.addi %iota3A, %add3A_93 : vector<16xi32>
    %and3A_95 = arith.constant 15 : i32
    %and3A_96 = vector.broadcast %and3A_95 : i32 to vector<16xi32>
    %and3A_97 = arith.andi %add3A_94, %and3A_96 : vector<16xi32>
    %add3A_98 = arith.constant 15 : i32
    %add3A_99 = vector.broadcast %add3A_98 : i32 to vector<16xi32>
    %add3A_100 = arith.addi %iota3A, %add3A_99 : vector<16xi32>
    %and3A_101 = arith.constant 15 : i32
    %and3A_102 = vector.broadcast %and3A_101 : i32 to vector<16xi32>
    %and3A_103 = arith.andi %add3A_100, %and3A_102 : vector<16xi32>
    %broadcast_in_dim3A = arith.constant 0 : i32
    %broadcast_in_dim3A_104 = vector.broadcast %broadcast_in_dim3A : i32 to vector<16xi32>
    %while3A = arith.constant 1 : i32
    %while3A_105 = arith.constant 0 : i32
    %while3A_106 = arith.constant 0 : i32
    %while3A_107 = arith.subi %mul3A_2, %while3A_106 : i32
    %while3A_108 = arith.addi %while3A_106, %while3A_107 : i32
    %while3A_109 = arith.constant 1 : i32
    %while3A_110 = arith.divsi %while3A_107, %while3A_109 : i32
    %while3A_111 = arith.muli %while3A_110, %while3A_109 : i32
    %while3A_112 = arith.addi %while3A_106, %while3A_111 : i32
    %while3A_113 = arith.constant 1 : i32
    %while3A_114:2 = scf.for %while3A_804 = %while3A_106 to %while3A_112 step %while3A_113 iter_args(%while3A_805 = %broadcast_in_dim3A_104, %while3A_806 = %broadcast_in_dim3A_104) -> (vector<16xi32>, vector<16xi32>)  : i32 {
      %mul3A_807 = arith.constant 16 : i32
      %mul3A_808 = arith.muli %while3A_804, %mul3A_807 : i32
      %get3A_809 = arith.index_cast %mul3A_808 : i32 to index
      %get3A_810 = tpu.vector_load %arg4[%get3A_809] {strides = array<i32>} : memref<512xf32, #tpu.memory_space<vmem>>, vector<16xf32>,
      %get3A_811 = vector.shape_cast %get3A_810 : vector<16xf32> to vector<16xf32>
      %broadcast_in_dim3A_812 = vector.shape_cast %and3A_13 : vector<16xi32> to vector<16x1xi32>
      %gather3A_813 = vector.shape_cast %broadcast_in_dim3A_812 : vector<16x1xi32> to vector<16xi32>
      %gather3A_814 = tpu.dynamic_gather %get3A_811[%gather3A_813] in [0] : vector<16xf32>, vector<16xi32> -> vector<16xf32>
      %ge3A_815 = arith.cmpf oge, %gather3A_814, %get3A_4 : vector<16xf32>
      %broadcast_in_dim3A_816 = vector.broadcast %while3A : i32 to vector<16xi32>
      %broadcast_in_dim3A_817 = vector.broadcast %while3A_105 : i32 to vector<16xi32>
      %select_n3A_818 = arith.select %ge3A_815, %broadcast_in_dim3A_816, %broadcast_in_dim3A_817 : vector<16xi1>, vector<16xi32>
      %add3A_819 = arith.addi %broadcast_in_dim3A_104, %select_n3A_818 : vector<16xi32>
      %ge3A_820 = arith.cmpf oge, %gather3A_814, %get3A_8 : vector<16xf32>
      %broadcast_in_dim3A_821 = vector.broadcast %while3A : i32 to vector<16xi32>
      %broadcast_in_dim3A_822 = vector.broadcast %while3A_105 : i32 to vector<16xi32>
      %select_n3A_823 = arith.select %ge3A_820, %broadcast_in_dim3A_821, %broadcast_in_dim3A_822 : vector<16xi1>, vector<16xi32>
      %add3A_824 = arith.addi %broadcast_in_dim3A_104, %select_n3A_823 : vector<16xi32>
      %broadcast_in_dim3A_825 = vector.shape_cast %and3A_19 : vector<16xi32> to vector<16x1xi32>
      %gather3A_826 = vector.shape_cast %broadcast_in_dim3A_825 : vector<16x1xi32> to vector<16xi32>
      %gather3A_827 = tpu.dynamic_gather %get3A_811[%gather3A_826] in [0] : vector<16xf32>, vector<16xi32> -> vector<16xf32>
      %ge3A_828 = arith.cmpf oge, %gather3A_827, %get3A_4 : vector<16xf32>
      %broadcast_in_dim3A_829 = vector.broadcast %while3A : i32 to vector<16xi32>
      %broadcast_in_dim3A_830 = vector.broadcast %while3A_105 : i32 to vector<16xi32>
      %select_n3A_831 = arith.select %ge3A_828, %broadcast_in_dim3A_829, %broadcast_in_dim3A_830 : vector<16xi1>, vector<16xi32>
      %add3A_832 = arith.addi %broadcast_in_dim3A_104, %select_n3A_831 : vector<16xi32>
      %ge3A_833 = arith.cmpf oge, %gather3A_827, %get3A_8 : vector<16xf32>
      %broadcast_in_dim3A_834 = vector.broadcast %while3A : i32 to vector<16xi32>
      %broadcast_in_dim3A_835 = vector.broadcast %while3A_105 : i32 to vector<16xi32>
      %select_n3A_836 = arith.select %ge3A_833, %broadcast_in_dim3A_834, %broadcast_in_dim3A_835 : vector<16xi1>, vector<16xi32>
      %add3A_837 = arith.addi %broadcast_in_dim3A_104, %select_n3A_836 : vector<16xi32>
      %broadcast_in_dim3A_838 = vector.shape_cast %and3A_25 : vector<16xi32> to vector<16x1xi32>
      %gather3A_839 = vector.shape_cast %broadcast_in_dim3A_838 : vector<16x1xi32> to vector<16xi32>
      %gather3A_840 = tpu.dynamic_gather %get3A_811[%gather3A_839] in [0] : vector<16xf32>, vector<16xi32> -> vector<16xf32>
      %ge3A_841 = arith.cmpf oge, %gather3A_840, %get3A_4 : vector<16xf32>
      %broadcast_in_dim3A_842 = vector.broadcast %while3A : i32 to vector<16xi32>
      %broadcast_in_dim3A_843 = vector.broadcast %while3A_105 : i32 to vector<16xi32>
      %select_n3A_844 = arith.select %ge3A_841, %broadcast_in_dim3A_842, %broadcast_in_dim3A_843 : vector<16xi1>, vector<16xi32>
      %add3A_845 = arith.addi %add3A_819, %select_n3A_844 : vector<16xi32>
      %ge3A_846 = arith.cmpf oge, %gather3A_840, %get3A_8 : vector<16xf32>
      %broadcast_in_dim3A_847 = vector.broadcast %while3A : i32 to vector<16xi32>
      %broadcast_in_dim3A_848 = vector.broadcast %while3A_105 : i32 to vector<16xi32>
      %select_n3A_849 = arith.select %ge3A_846, %broadcast_in_dim3A_847, %broadcast_in_dim3A_848 : vector<16xi1>, vector<16xi32>
      %add3A_850 = arith.addi %add3A_824, %select_n3A_849 : vector<16xi32>
      %broadcast_in_dim3A_851 = vector.shape_cast %and3A_31 : vector<16xi32> to vector<16x1xi32>
      %gather3A_852 = vector.shape_cast %broadcast_in_dim3A_851 : vector<16x1xi32> to vector<16xi32>
      %gather3A_853 = tpu.dynamic_gather %get3A_811[%gather3A_852] in [0] : vector<16xf32>, vector<16xi32> -> vector<16xf32>
      %ge3A_854 = arith.cmpf oge, %gather3A_853, %get3A_4 : vector<16xf32>
      %broadcast_in_dim3A_855 = vector.broadcast %while3A : i32 to vector<16xi32>
      %broadcast_in_dim3A_856 = vector.broadcast %while3A_105 : i32 to vector<16xi32>
      %select_n3A_857 = arith.select %ge3A_854, %broadcast_in_dim3A_855, %broadcast_in_dim3A_856 : vector<16xi1>, vector<16xi32>
      %add3A_858 = arith.addi %add3A_832, %select_n3A_857 : vector<16xi32>
      %ge3A_859 = arith.cmpf oge, %gather3A_853, %get3A_8 : vector<16xf32>
      %broadcast_in_dim3A_860 = vector.broadcast %while3A : i32 to vector<16xi32>
      %broadcast_in_dim3A_861 = vector.broadcast %while3A_105 : i32 to vector<16xi32>
      %select_n3A_862 = arith.select %ge3A_859, %broadcast_in_dim3A_860, %broadcast_in_dim3A_861 : vector<16xi1>, vector<16xi32>
      %add3A_863 = arith.addi %add3A_837, %select_n3A_862 : vector<16xi32>
      %broadcast_in_dim3A_864 = vector.shape_cast %and3A_37 : vector<16xi32> to vector<16x1xi32>
      %gather3A_865 = vector.shape_cast %broadcast_in_dim3A_864 : vector<16x1xi32> to vector<16xi32>
      %gather3A_866 = tpu.dynamic_gather %get3A_811[%gather3A_865] in [0] : vector<16xf32>, vector<16xi32> -> vector<16xf32>
      %ge3A_867 = arith.cmpf oge, %gather3A_866, %get3A_4 : vector<16xf32>
      %broadcast_in_dim3A_868 = vector.broadcast %while3A : i32 to vector<16xi32>
      %broadcast_in_dim3A_869 = vector.broadcast %while3A_105 : i32 to vector<16xi32>
      %select_n3A_870 = arith.select %ge3A_867, %broadcast_in_dim3A_868, %broadcast_in_dim3A_869 : vector<16xi1>, vector<16xi32>
      %add3A_871 = arith.addi %add3A_845, %select_n3A_870 : vector<16xi32>
      %ge3A_872 = arith.cmpf oge, %gather3A_866, %get3A_8 : vector<16xf32>
      %broadcast_in_dim3A_873 = vector.broadcast %while3A : i32 to vector<16xi32>
      %broadcast_in_dim3A_874 = vector.broadcast %while3A_105 : i32 to vector<16xi32>
      %select_n3A_875 = arith.select %ge3A_872, %broadcast_in_dim3A_873, %broadcast_in_dim3A_874 : vector<16xi1>, vector<16xi32>
      %add3A_876 = arith.addi %add3A_850, %select_n3A_875 : vector<16xi32>
      %broadcast_in_dim3A_877 = vector.shape_cast %and3A_43 : vector<16xi32> to vector<16x1xi32>
      %gather3A_878 = vector.shape_cast %broadcast_in_dim3A_877 : vector<16x1xi32> to vector<16xi32>
      %gather3A_879 = tpu.dynamic_gather %get3A_811[%gather3A_878] in [0] : vector<16xf32>, vector<16xi32> -> vector<16xf32>
      %ge3A_880 = arith.cmpf oge, %gather3A_879, %get3A_4 : vector<16xf32>
      %broadcast_in_dim3A_881 = vector.broadcast %while3A : i32 to vector<16xi32>
      %broadcast_in_dim3A_882 = vector.broadcast %while3A_105 : i32 to vector<16xi32>
      %select_n3A_883 = arith.select %ge3A_880, %broadcast_in_dim3A_881, %broadcast_in_dim3A_882 : vector<16xi1>, vector<16xi32>
      %add3A_884 = arith.addi %add3A_858, %select_n3A_883 : vector<16xi32>
      %ge3A_885 = arith.cmpf oge, %gather3A_879, %get3A_8 : vector<16xf32>
      %broadcast_in_dim3A_886 = vector.broadcast %while3A : i32 to vector<16xi32>
      %broadcast_in_dim3A_887 = vector.broadcast %while3A_105 : i32 to vector<16xi32>
      %select_n3A_888 = arith.select %ge3A_885, %broadcast_in_dim3A_886, %broadcast_in_dim3A_887 : vector<16xi1>, vector<16xi32>
      %add3A_889 = arith.addi %add3A_863, %select_n3A_888 : vector<16xi32>
      %broadcast_in_dim3A_890 = vector.shape_cast %and3A_49 : vector<16xi32> to vector<16x1xi32>
      %gather3A_891 = vector.shape_cast %broadcast_in_dim3A_890 : vector<16x1xi32> to vector<16xi32>
      %gather3A_892 = tpu.dynamic_gather %get3A_811[%gather3A_891] in [0] : vector<16xf32>, vector<16xi32> -> vector<16xf32>
      %ge3A_893 = arith.cmpf oge, %gather3A_892, %get3A_4 : vector<16xf32>
      %broadcast_in_dim3A_894 = vector.broadcast %while3A : i32 to vector<16xi32>
      %broadcast_in_dim3A_895 = vector.broadcast %while3A_105 : i32 to vector<16xi32>
      %select_n3A_896 = arith.select %ge3A_893, %broadcast_in_dim3A_894, %broadcast_in_dim3A_895 : vector<16xi1>, vector<16xi32>
      %add3A_897 = arith.addi %add3A_871, %select_n3A_896 : vector<16xi32>
      %ge3A_898 = arith.cmpf oge, %gather3A_892, %get3A_8 : vector<16xf32>
      %broadcast_in_dim3A_899 = vector.broadcast %while3A : i32 to vector<16xi32>
      %broadcast_in_dim3A_900 = vector.broadcast %while3A_105 : i32 to vector<16xi32>
      %select_n3A_901 = arith.select %ge3A_898, %broadcast_in_dim3A_899, %broadcast_in_dim3A_900 : vector<16xi1>, vector<16xi32>
      %add3A_902 = arith.addi %add3A_876, %select_n3A_901 : vector<16xi32>
      %broadcast_in_dim3A_903 = vector.shape_cast %and3A_55 : vector<16xi32> to vector<16x1xi32>
      %gather3A_904 = vector.shape_cast %broadcast_in_dim3A_903 : vector<16x1xi32> to vector<16xi32>
      %gather3A_905 = tpu.dynamic_gather %get3A_811[%gather3A_904] in [0] : vector<16xf32>, vector<16xi32> -> vector<16xf32>
      %ge3A_906 = arith.cmpf oge, %gather3A_905, %get3A_4 : vector<16xf32>
      %broadcast_in_dim3A_907 = vector.broadcast %while3A : i32 to vector<16xi32>
      %broadcast_in_dim3A_908 = vector.broadcast %while3A_105 : i32 to vector<16xi32>
      %select_n3A_909 = arith.select %ge3A_906, %broadcast_in_dim3A_907, %broadcast_in_dim3A_908 : vector<16xi1>, vector<16xi32>
      %add3A_910 = arith.addi %add3A_884, %select_n3A_909 : vector<16xi32>
      %ge3A_911 = arith.cmpf oge, %gather3A_905, %get3A_8 : vector<16xf32>
      %broadcast_in_dim3A_912 = vector.broadcast %while3A : i32 to vector<16xi32>
      %broadcast_in_dim3A_913 = vector.broadcast %while3A_105 : i32 to vector<16xi32>
      %select_n3A_914 = arith.select %ge3A_911, %broadcast_in_dim3A_912, %broadcast_in_dim3A_913 : vector<16xi1>, vector<16xi32>
      %add3A_915 = arith.addi %add3A_889, %select_n3A_914 : vector<16xi32>
      %broadcast_in_dim3A_916 = vector.shape_cast %and3A_61 : vector<16xi32> to vector<16x1xi32>
      %gather3A_917 = vector.shape_cast %broadcast_in_dim3A_916 : vector<16x1xi32> to vector<16xi32>
      %gather3A_918 = tpu.dynamic_gather %get3A_811[%gather3A_917] in [0] : vector<16xf32>, vector<16xi32> -> vector<16xf32>
      %ge3A_919 = arith.cmpf oge, %gather3A_918, %get3A_4 : vector<16xf32>
      %broadcast_in_dim3A_920 = vector.broadcast %while3A : i32 to vector<16xi32>
      %broadcast_in_dim3A_921 = vector.broadcast %while3A_105 : i32 to vector<16xi32>
      %select_n3A_922 = arith.select %ge3A_919, %broadcast_in_dim3A_920, %broadcast_in_dim3A_921 : vector<16xi1>, vector<16xi32>
      %add3A_923 = arith.addi %add3A_897, %select_n3A_922 : vector<16xi32>
      %ge3A_924 = arith.cmpf oge, %gather3A_918, %get3A_8 : vector<16xf32>
      %broadcast_in_dim3A_925 = vector.broadcast %while3A : i32 to vector<16xi32>
      %broadcast_in_dim3A_926 = vector.broadcast %while3A_105 : i32 to vector<16xi32>
      %select_n3A_927 = arith.select %ge3A_924, %broadcast_in_dim3A_925, %broadcast_in_dim3A_926 : vector<16xi1>, vector<16xi32>
      %add3A_928 = arith.addi %add3A_902, %select_n3A_927 : vector<16xi32>
      %broadcast_in_dim3A_929 = vector.shape_cast %and3A_67 : vector<16xi32> to vector<16x1xi32>
      %gather3A_930 = vector.shape_cast %broadcast_in_dim3A_929 : vector<16x1xi32> to vector<16xi32>
      %gather3A_931 = tpu.dynamic_gather %get3A_811[%gather3A_930] in [0] : vector<16xf32>, vector<16xi32> -> vector<16xf32>
      %ge3A_932 = arith.cmpf oge, %gather3A_931, %get3A_4 : vector<16xf32>
      %broadcast_in_dim3A_933 = vector.broadcast %while3A : i32 to vector<16xi32>
      %broadcast_in_dim3A_934 = vector.broadcast %while3A_105 : i32 to vector<16xi32>
      %select_n3A_935 = arith.select %ge3A_932, %broadcast_in_dim3A_933, %broadcast_in_dim3A_934 : vector<16xi1>, vector<16xi32>
      %add3A_936 = arith.addi %add3A_910, %select_n3A_935 : vector<16xi32>
      %ge3A_937 = arith.cmpf oge, %gather3A_931, %get3A_8 : vector<16xf32>
      %broadcast_in_dim3A_938 = vector.broadcast %while3A : i32 to vector<16xi32>
      %broadcast_in_dim3A_939 = vector.broadcast %while3A_105 : i32 to vector<16xi32>
      %select_n3A_940 = arith.select %ge3A_937, %broadcast_in_dim3A_938, %broadcast_in_dim3A_939 : vector<16xi1>, vector<16xi32>
      %add3A_941 = arith.addi %add3A_915, %select_n3A_940 : vector<16xi32>
      %broadcast_in_dim3A_942 = vector.shape_cast %and3A_73 : vector<16xi32> to vector<16x1xi32>
      %gather3A_943 = vector.shape_cast %broadcast_in_dim3A_942 : vector<16x1xi32> to vector<16xi32>
      %gather3A_944 = tpu.dynamic_gather %get3A_811[%gather3A_943] in [0] : vector<16xf32>, vector<16xi32> -> vector<16xf32>
      %ge3A_945 = arith.cmpf oge, %gather3A_944, %get3A_4 : vector<16xf32>
      %broadcast_in_dim3A_946 = vector.broadcast %while3A : i32 to vector<16xi32>
      %broadcast_in_dim3A_947 = vector.broadcast %while3A_105 : i32 to vector<16xi32>
      %select_n3A_948 = arith.select %ge3A_945, %broadcast_in_dim3A_946, %broadcast_in_dim3A_947 : vector<16xi1>, vector<16xi32>
      %add3A_949 = arith.addi %add3A_923, %select_n3A_948 : vector<16xi32>
      %ge3A_950 = arith.cmpf oge, %gather3A_944, %get3A_8 : vector<16xf32>
      %broadcast_in_dim3A_951 = vector.broadcast %while3A : i32 to vector<16xi32>
      %broadcast_in_dim3A_952 = vector.broadcast %while3A_105 : i32 to vector<16xi32>
      %select_n3A_953 = arith.select %ge3A_950, %broadcast_in_dim3A_951, %broadcast_in_dim3A_952 : vector<16xi1>, vector<16xi32>
      %add3A_954 = arith.addi %add3A_928, %select_n3A_953 : vector<16xi32>
      %broadcast_in_dim3A_955 = vector.shape_cast %and3A_79 : vector<16xi32> to vector<16x1xi32>
      %gather3A_956 = vector.shape_cast %broadcast_in_dim3A_955 : vector<16x1xi32> to vector<16xi32>
      %gather3A_957 = tpu.dynamic_gather %get3A_811[%gather3A_956] in [0] : vector<16xf32>, vector<16xi32> -> vector<16xf32>
      %ge3A_958 = arith.cmpf oge, %gather3A_957, %get3A_4 : vector<16xf32>
      %broadcast_in_dim3A_959 = vector.broadcast %while3A : i32 to vector<16xi32>
      %broadcast_in_dim3A_960 = vector.broadcast %while3A_105 : i32 to vector<16xi32>
      %select_n3A_961 = arith.select %ge3A_958, %broadcast_in_dim3A_959, %broadcast_in_dim3A_960 : vector<16xi1>, vector<16xi32>
      %add3A_962 = arith.addi %add3A_936, %select_n3A_961 : vector<16xi32>
      %ge3A_963 = arith.cmpf oge, %gather3A_957, %get3A_8 : vector<16xf32>
      %broadcast_in_dim3A_964 = vector.broadcast %while3A : i32 to vector<16xi32>
      %broadcast_in_dim3A_965 = vector.broadcast %while3A_105 : i32 to vector<16xi32>
      %select_n3A_966 = arith.select %ge3A_963, %broadcast_in_dim3A_964, %broadcast_in_dim3A_965 : vector<16xi1>, vector<16xi32>
      %add3A_967 = arith.addi %add3A_941, %select_n3A_966 : vector<16xi32>
      %broadcast_in_dim3A_968 = vector.shape_cast %and3A_85 : vector<16xi32> to vector<16x1xi32>
      %gather3A_969 = vector.shape_cast %broadcast_in_dim3A_968 : vector<16x1xi32> to vector<16xi32>
      %gather3A_970 = tpu.dynamic_gather %get3A_811[%gather3A_969] in [0] : vector<16xf32>, vector<16xi32> -> vector<16xf32>
      %ge3A_971 = arith.cmpf oge, %gather3A_970, %get3A_4 : vector<16xf32>
      %broadcast_in_dim3A_972 = vector.broadcast %while3A : i32 to vector<16xi32>
      %broadcast_in_dim3A_973 = vector.broadcast %while3A_105 : i32 to vector<16xi32>
      %select_n3A_974 = arith.select %ge3A_971, %broadcast_in_dim3A_972, %broadcast_in_dim3A_973 : vector<16xi1>, vector<16xi32>
      %add3A_975 = arith.addi %add3A_949, %select_n3A_974 : vector<16xi32>
      %ge3A_976 = arith.cmpf oge, %gather3A_970, %get3A_8 : vector<16xf32>
      %broadcast_in_dim3A_977 = vector.broadcast %while3A : i32 to vector<16xi32>
      %broadcast_in_dim3A_978 = vector.broadcast %while3A_105 : i32 to vector<16xi32>
      %select_n3A_979 = arith.select %ge3A_976, %broadcast_in_dim3A_977, %broadcast_in_dim3A_978 : vector<16xi1>, vector<16xi32>
      %add3A_980 = arith.addi %add3A_954, %select_n3A_979 : vector<16xi32>
      %broadcast_in_dim3A_981 = vector.shape_cast %and3A_91 : vector<16xi32> to vector<16x1xi32>
      %gather3A_982 = vector.shape_cast %broadcast_in_dim3A_981 : vector<16x1xi32> to vector<16xi32>
      %gather3A_983 = tpu.dynamic_gather %get3A_811[%gather3A_982] in [0] : vector<16xf32>, vector<16xi32> -> vector<16xf32>
      %ge3A_984 = arith.cmpf oge, %gather3A_983, %get3A_4 : vector<16xf32>
      %broadcast_in_dim3A_985 = vector.broadcast %while3A : i32 to vector<16xi32>
      %broadcast_in_dim3A_986 = vector.broadcast %while3A_105 : i32 to vector<16xi32>
      %select_n3A_987 = arith.select %ge3A_984, %broadcast_in_dim3A_985, %broadcast_in_dim3A_986 : vector<16xi1>, vector<16xi32>
      %add3A_988 = arith.addi %add3A_962, %select_n3A_987 : vector<16xi32>
      %ge3A_989 = arith.cmpf oge, %gather3A_983, %get3A_8 : vector<16xf32>
      %broadcast_in_dim3A_990 = vector.broadcast %while3A : i32 to vector<16xi32>
      %broadcast_in_dim3A_991 = vector.broadcast %while3A_105 : i32 to vector<16xi32>
      %select_n3A_992 = arith.select %ge3A_989, %broadcast_in_dim3A_990, %broadcast_in_dim3A_991 : vector<16xi1>, vector<16xi32>
      %add3A_993 = arith.addi %add3A_967, %select_n3A_992 : vector<16xi32>
      %broadcast_in_dim3A_994 = vector.shape_cast %and3A_97 : vector<16xi32> to vector<16x1xi32>
      %gather3A_995 = vector.shape_cast %broadcast_in_dim3A_994 : vector<16x1xi32> to vector<16xi32>
      %gather3A_996 = tpu.dynamic_gather %get3A_811[%gather3A_995] in [0] : vector<16xf32>, vector<16xi32> -> vector<16xf32>
      %ge3A_997 = arith.cmpf oge, %gather3A_996, %get3A_4 : vector<16xf32>
      %broadcast_in_dim3A_998 = vector.broadcast %while3A : i32 to vector<16xi32>
      %broadcast_in_dim3A_999 = vector.broadcast %while3A_105 : i32 to vector<16xi32>
      %select_n3A_1000 = arith.select %ge3A_997, %broadcast_in_dim3A_998, %broadcast_in_dim3A_999 : vector<16xi1>, vector<16xi32>
      %add3A_1001 = arith.addi %add3A_975, %select_n3A_1000 : vector<16xi32>
      %ge3A_1002 = arith.cmpf oge, %gather3A_996, %get3A_8 : vector<16xf32>
      %broadcast_in_dim3A_1003 = vector.broadcast %while3A : i32 to vector<16xi32>
      %broadcast_in_dim3A_1004 = vector.broadcast %while3A_105 : i32 to vector<16xi32>
      %select_n3A_1005 = arith.select %ge3A_1002, %broadcast_in_dim3A_1003, %broadcast_in_dim3A_1004 : vector<16xi1>, vector<16xi32>
      %add3A_1006 = arith.addi %add3A_980, %select_n3A_1005 : vector<16xi32>
      %broadcast_in_dim3A_1007 = vector.shape_cast %and3A_103 : vector<16xi32> to vector<16x1xi32>
      %gather3A_1008 = vector.shape_cast %broadcast_in_dim3A_1007 : vector<16x1xi32> to vector<16xi32>
      %gather3A_1009 = tpu.dynamic_gather %get3A_811[%gather3A_1008] in [0] : vector<16xf32>, vector<16xi32> -> vector<16xf32>
      %ge3A_1010 = arith.cmpf oge, %gather3A_1009, %get3A_4 : vector<16xf32>
      %broadcast_in_dim3A_1011 = vector.broadcast %while3A : i32 to vector<16xi32>
      %broadcast_in_dim3A_1012 = vector.broadcast %while3A_105 : i32 to vector<16xi32>
      %select_n3A_1013 = arith.select %ge3A_1010, %broadcast_in_dim3A_1011, %broadcast_in_dim3A_1012 : vector<16xi1>, vector<16xi32>
      %add3A_1014 = arith.addi %add3A_988, %select_n3A_1013 : vector<16xi32>
      %ge3A_1015 = arith.cmpf oge, %gather3A_1009, %get3A_8 : vector<16xf32>
      %broadcast_in_dim3A_1016 = vector.broadcast %while3A : i32 to vector<16xi32>
      %broadcast_in_dim3A_1017 = vector.broadcast %while3A_105 : i32 to vector<16xi32>
      %select_n3A_1018 = arith.select %ge3A_1015, %broadcast_in_dim3A_1016, %broadcast_in_dim3A_1017 : vector<16xi1>, vector<16xi32>
      %add3A_1019 = arith.addi %add3A_993, %select_n3A_1018 : vector<16xi32>
      %add3A_1020 = arith.addi %while3A_805, %add3A_1001 : vector<16xi32>
      %add3A_1021 = arith.addi %add3A_1020, %add3A_1014 : vector<16xi32>
      %add3A_1022 = arith.addi %while3A_806, %add3A_1006 : vector<16xi32>
      %add3A_1023 = arith.addi %add3A_1022, %add3A_1019 : vector<16xi32>
      scf.yield %add3A_1021, %add3A_1023 : vector<16xi32>, vector<16xi32>
    }
    %while3A_115 = arith.constant 1 : i32
    %while3A_116:2 = scf.for %while3A_804 = %while3A_112 to %while3A_108 step %while3A_115 iter_args(%while3A_805 = %while3A_114#0, %while3A_806 = %while3A_114#1) -> (vector<16xi32>, vector<16xi32>)  : i32 {
      %mul3A_807 = arith.constant 16 : i32
      %mul3A_808 = arith.muli %while3A_804, %mul3A_807 : i32
      %get3A_809 = arith.index_cast %mul3A_808 : i32 to index
      %get3A_810 = tpu.vector_load %arg4[%get3A_809] {strides = array<i32>} : memref<512xf32, #tpu.memory_space<vmem>>, vector<16xf32>,
      %get3A_811 = vector.shape_cast %get3A_810 : vector<16xf32> to vector<16xf32>
      %broadcast_in_dim3A_812 = vector.shape_cast %and3A_13 : vector<16xi32> to vector<16x1xi32>
      %gather3A_813 = vector.shape_cast %broadcast_in_dim3A_812 : vector<16x1xi32> to vector<16xi32>
      %gather3A_814 = tpu.dynamic_gather %get3A_811[%gather3A_813] in [0] : vector<16xf32>, vector<16xi32> -> vector<16xf32>
      %ge3A_815 = arith.cmpf oge, %gather3A_814, %get3A_4 : vector<16xf32>
      %broadcast_in_dim3A_816 = vector.broadcast %while3A : i32 to vector<16xi32>
      %broadcast_in_dim3A_817 = vector.broadcast %while3A_105 : i32 to vector<16xi32>
      %select_n3A_818 = arith.select %ge3A_815, %broadcast_in_dim3A_816, %broadcast_in_dim3A_817 : vector<16xi1>, vector<16xi32>
      %add3A_819 = arith.addi %broadcast_in_dim3A_104, %select_n3A_818 : vector<16xi32>
      %ge3A_820 = arith.cmpf oge, %gather3A_814, %get3A_8 : vector<16xf32>
      %broadcast_in_dim3A_821 = vector.broadcast %while3A : i32 to vector<16xi32>
      %broadcast_in_dim3A_822 = vector.broadcast %while3A_105 : i32 to vector<16xi32>
      %select_n3A_823 = arith.select %ge3A_820, %broadcast_in_dim3A_821, %broadcast_in_dim3A_822 : vector<16xi1>, vector<16xi32>
      %add3A_824 = arith.addi %broadcast_in_dim3A_104, %select_n3A_823 : vector<16xi32>
      %broadcast_in_dim3A_825 = vector.shape_cast %and3A_19 : vector<16xi32> to vector<16x1xi32>
      %gather3A_826 = vector.shape_cast %broadcast_in_dim3A_825 : vector<16x1xi32> to vector<16xi32>
      %gather3A_827 = tpu.dynamic_gather %get3A_811[%gather3A_826] in [0] : vector<16xf32>, vector<16xi32> -> vector<16xf32>
      %ge3A_828 = arith.cmpf oge, %gather3A_827, %get3A_4 : vector<16xf32>
      %broadcast_in_dim3A_829 = vector.broadcast %while3A : i32 to vector<16xi32>
      %broadcast_in_dim3A_830 = vector.broadcast %while3A_105 : i32 to vector<16xi32>
      %select_n3A_831 = arith.select %ge3A_828, %broadcast_in_dim3A_829, %broadcast_in_dim3A_830 : vector<16xi1>, vector<16xi32>
      %add3A_832 = arith.addi %broadcast_in_dim3A_104, %select_n3A_831 : vector<16xi32>
      %ge3A_833 = arith.cmpf oge, %gather3A_827, %get3A_8 : vector<16xf32>
      %broadcast_in_dim3A_834 = vector.broadcast %while3A : i32 to vector<16xi32>
      %broadcast_in_dim3A_835 = vector.broadcast %while3A_105 : i32 to vector<16xi32>
      %select_n3A_836 = arith.select %ge3A_833, %broadcast_in_dim3A_834, %broadcast_in_dim3A_835 : vector<16xi1>, vector<16xi32>
      %add3A_837 = arith.addi %broadcast_in_dim3A_104, %select_n3A_836 : vector<16xi32>
      %broadcast_in_dim3A_838 = vector.shape_cast %and3A_25 : vector<16xi32> to vector<16x1xi32>
      %gather3A_839 = vector.shape_cast %broadcast_in_dim3A_838 : vector<16x1xi32> to vector<16xi32>
      %gather3A_840 = tpu.dynamic_gather %get3A_811[%gather3A_839] in [0] : vector<16xf32>, vector<16xi32> -> vector<16xf32>
      %ge3A_841 = arith.cmpf oge, %gather3A_840, %get3A_4 : vector<16xf32>
      %broadcast_in_dim3A_842 = vector.broadcast %while3A : i32 to vector<16xi32>
      %broadcast_in_dim3A_843 = vector.broadcast %while3A_105 : i32 to vector<16xi32>
      %select_n3A_844 = arith.select %ge3A_841, %broadcast_in_dim3A_842, %broadcast_in_dim3A_843 : vector<16xi1>, vector<16xi32>
      %add3A_845 = arith.addi %add3A_819, %select_n3A_844 : vector<16xi32>
      %ge3A_846 = arith.cmpf oge, %gather3A_840, %get3A_8 : vector<16xf32>
      %broadcast_in_dim3A_847 = vector.broadcast %while3A : i32 to vector<16xi32>
      %broadcast_in_dim3A_848 = vector.broadcast %while3A_105 : i32 to vector<16xi32>
      %select_n3A_849 = arith.select %ge3A_846, %broadcast_in_dim3A_847, %broadcast_in_dim3A_848 : vector<16xi1>, vector<16xi32>
      %add3A_850 = arith.addi %add3A_824, %select_n3A_849 : vector<16xi32>
      %broadcast_in_dim3A_851 = vector.shape_cast %and3A_31 : vector<16xi32> to vector<16x1xi32>
      %gather3A_852 = vector.shape_cast %broadcast_in_dim3A_851 : vector<16x1xi32> to vector<16xi32>
      %gather3A_853 = tpu.dynamic_gather %get3A_811[%gather3A_852] in [0] : vector<16xf32>, vector<16xi32> -> vector<16xf32>
      %ge3A_854 = arith.cmpf oge, %gather3A_853, %get3A_4 : vector<16xf32>
      %broadcast_in_dim3A_855 = vector.broadcast %while3A : i32 to vector<16xi32>
      %broadcast_in_dim3A_856 = vector.broadcast %while3A_105 : i32 to vector<16xi32>
      %select_n3A_857 = arith.select %ge3A_854, %broadcast_in_dim3A_855, %broadcast_in_dim3A_856 : vector<16xi1>, vector<16xi32>
      %add3A_858 = arith.addi %add3A_832, %select_n3A_857 : vector<16xi32>
      %ge3A_859 = arith.cmpf oge, %gather3A_853, %get3A_8 : vector<16xf32>
      %broadcast_in_dim3A_860 = vector.broadcast %while3A : i32 to vector<16xi32>
      %broadcast_in_dim3A_861 = vector.broadcast %while3A_105 : i32 to vector<16xi32>
      %select_n3A_862 = arith.select %ge3A_859, %broadcast_in_dim3A_860, %broadcast_in_dim3A_861 : vector<16xi1>, vector<16xi32>
      %add3A_863 = arith.addi %add3A_837, %select_n3A_862 : vector<16xi32>
      %broadcast_in_dim3A_864 = vector.shape_cast %and3A_37 : vector<16xi32> to vector<16x1xi32>
      %gather3A_865 = vector.shape_cast %broadcast_in_dim3A_864 : vector<16x1xi32> to vector<16xi32>
      %gather3A_866 = tpu.dynamic_gather %get3A_811[%gather3A_865] in [0] : vector<16xf32>, vector<16xi32> -> vector<16xf32>
      %ge3A_867 = arith.cmpf oge, %gather3A_866, %get3A_4 : vector<16xf32>
      %broadcast_in_dim3A_868 = vector.broadcast %while3A : i32 to vector<16xi32>
      %broadcast_in_dim3A_869 = vector.broadcast %while3A_105 : i32 to vector<16xi32>
      %select_n3A_870 = arith.select %ge3A_867, %broadcast_in_dim3A_868, %broadcast_in_dim3A_869 : vector<16xi1>, vector<16xi32>
      %add3A_871 = arith.addi %add3A_845, %select_n3A_870 : vector<16xi32>
      %ge3A_872 = arith.cmpf oge, %gather3A_866, %get3A_8 : vector<16xf32>
      %broadcast_in_dim3A_873 = vector.broadcast %while3A : i32 to vector<16xi32>
      %broadcast_in_dim3A_874 = vector.broadcast %while3A_105 : i32 to vector<16xi32>
      %select_n3A_875 = arith.select %ge3A_872, %broadcast_in_dim3A_873, %broadcast_in_dim3A_874 : vector<16xi1>, vector<16xi32>
      %add3A_876 = arith.addi %add3A_850, %select_n3A_875 : vector<16xi32>
      %broadcast_in_dim3A_877 = vector.shape_cast %and3A_43 : vector<16xi32> to vector<16x1xi32>
      %gather3A_878 = vector.shape_cast %broadcast_in_dim3A_877 : vector<16x1xi32> to vector<16xi32>
      %gather3A_879 = tpu.dynamic_gather %get3A_811[%gather3A_878] in [0] : vector<16xf32>, vector<16xi32> -> vector<16xf32>
      %ge3A_880 = arith.cmpf oge, %gather3A_879, %get3A_4 : vector<16xf32>
      %broadcast_in_dim3A_881 = vector.broadcast %while3A : i32 to vector<16xi32>
      %broadcast_in_dim3A_882 = vector.broadcast %while3A_105 : i32 to vector<16xi32>
      %select_n3A_883 = arith.select %ge3A_880, %broadcast_in_dim3A_881, %broadcast_in_dim3A_882 : vector<16xi1>, vector<16xi32>
      %add3A_884 = arith.addi %add3A_858, %select_n3A_883 : vector<16xi32>
      %ge3A_885 = arith.cmpf oge, %gather3A_879, %get3A_8 : vector<16xf32>
      %broadcast_in_dim3A_886 = vector.broadcast %while3A : i32 to vector<16xi32>
      %broadcast_in_dim3A_887 = vector.broadcast %while3A_105 : i32 to vector<16xi32>
      %select_n3A_888 = arith.select %ge3A_885, %broadcast_in_dim3A_886, %broadcast_in_dim3A_887 : vector<16xi1>, vector<16xi32>
      %add3A_889 = arith.addi %add3A_863, %select_n3A_888 : vector<16xi32>
      %broadcast_in_dim3A_890 = vector.shape_cast %and3A_49 : vector<16xi32> to vector<16x1xi32>
      %gather3A_891 = vector.shape_cast %broadcast_in_dim3A_890 : vector<16x1xi32> to vector<16xi32>
      %gather3A_892 = tpu.dynamic_gather %get3A_811[%gather3A_891] in [0] : vector<16xf32>, vector<16xi32> -> vector<16xf32>
      %ge3A_893 = arith.cmpf oge, %gather3A_892, %get3A_4 : vector<16xf32>
      %broadcast_in_dim3A_894 = vector.broadcast %while3A : i32 to vector<16xi32>
      %broadcast_in_dim3A_895 = vector.broadcast %while3A_105 : i32 to vector<16xi32>
      %select_n3A_896 = arith.select %ge3A_893, %broadcast_in_dim3A_894, %broadcast_in_dim3A_895 : vector<16xi1>, vector<16xi32>
      %add3A_897 = arith.addi %add3A_871, %select_n3A_896 : vector<16xi32>
      %ge3A_898 = arith.cmpf oge, %gather3A_892, %get3A_8 : vector<16xf32>
      %broadcast_in_dim3A_899 = vector.broadcast %while3A : i32 to vector<16xi32>
      %broadcast_in_dim3A_900 = vector.broadcast %while3A_105 : i32 to vector<16xi32>
      %select_n3A_901 = arith.select %ge3A_898, %broadcast_in_dim3A_899, %broadcast_in_dim3A_900 : vector<16xi1>, vector<16xi32>
      %add3A_902 = arith.addi %add3A_876, %select_n3A_901 : vector<16xi32>
      %broadcast_in_dim3A_903 = vector.shape_cast %and3A_55 : vector<16xi32> to vector<16x1xi32>
      %gather3A_904 = vector.shape_cast %broadcast_in_dim3A_903 : vector<16x1xi32> to vector<16xi32>
      %gather3A_905 = tpu.dynamic_gather %get3A_811[%gather3A_904] in [0] : vector<16xf32>, vector<16xi32> -> vector<16xf32>
      %ge3A_906 = arith.cmpf oge, %gather3A_905, %get3A_4 : vector<16xf32>
      %broadcast_in_dim3A_907 = vector.broadcast %while3A : i32 to vector<16xi32>
      %broadcast_in_dim3A_908 = vector.broadcast %while3A_105 : i32 to vector<16xi32>
      %select_n3A_909 = arith.select %ge3A_906, %broadcast_in_dim3A_907, %broadcast_in_dim3A_908 : vector<16xi1>, vector<16xi32>
      %add3A_910 = arith.addi %add3A_884, %select_n3A_909 : vector<16xi32>
      %ge3A_911 = arith.cmpf oge, %gather3A_905, %get3A_8 : vector<16xf32>
      %broadcast_in_dim3A_912 = vector.broadcast %while3A : i32 to vector<16xi32>
      %broadcast_in_dim3A_913 = vector.broadcast %while3A_105 : i32 to vector<16xi32>
      %select_n3A_914 = arith.select %ge3A_911, %broadcast_in_dim3A_912, %broadcast_in_dim3A_913 : vector<16xi1>, vector<16xi32>
      %add3A_915 = arith.addi %add3A_889, %select_n3A_914 : vector<16xi32>
      %broadcast_in_dim3A_916 = vector.shape_cast %and3A_61 : vector<16xi32> to vector<16x1xi32>
      %gather3A_917 = vector.shape_cast %broadcast_in_dim3A_916 : vector<16x1xi32> to vector<16xi32>
      %gather3A_918 = tpu.dynamic_gather %get3A_811[%gather3A_917] in [0] : vector<16xf32>, vector<16xi32> -> vector<16xf32>
      %ge3A_919 = arith.cmpf oge, %gather3A_918, %get3A_4 : vector<16xf32>
      %broadcast_in_dim3A_920 = vector.broadcast %while3A : i32 to vector<16xi32>
      %broadcast_in_dim3A_921 = vector.broadcast %while3A_105 : i32 to vector<16xi32>
      %select_n3A_922 = arith.select %ge3A_919, %broadcast_in_dim3A_920, %broadcast_in_dim3A_921 : vector<16xi1>, vector<16xi32>
      %add3A_923 = arith.addi %add3A_897, %select_n3A_922 : vector<16xi32>
      %ge3A_924 = arith.cmpf oge, %gather3A_918, %get3A_8 : vector<16xf32>
      %broadcast_in_dim3A_925 = vector.broadcast %while3A : i32 to vector<16xi32>
      %broadcast_in_dim3A_926 = vector.broadcast %while3A_105 : i32 to vector<16xi32>
      %select_n3A_927 = arith.select %ge3A_924, %broadcast_in_dim3A_925, %broadcast_in_dim3A_926 : vector<16xi1>, vector<16xi32>
      %add3A_928 = arith.addi %add3A_902, %select_n3A_927 : vector<16xi32>
      %broadcast_in_dim3A_929 = vector.shape_cast %and3A_67 : vector<16xi32> to vector<16x1xi32>
      %gather3A_930 = vector.shape_cast %broadcast_in_dim3A_929 : vector<16x1xi32> to vector<16xi32>
      %gather3A_931 = tpu.dynamic_gather %get3A_811[%gather3A_930] in [0] : vector<16xf32>, vector<16xi32> -> vector<16xf32>
      %ge3A_932 = arith.cmpf oge, %gather3A_931, %get3A_4 : vector<16xf32>
      %broadcast_in_dim3A_933 = vector.broadcast %while3A : i32 to vector<16xi32>
      %broadcast_in_dim3A_934 = vector.broadcast %while3A_105 : i32 to vector<16xi32>
      %select_n3A_935 = arith.select %ge3A_932, %broadcast_in_dim3A_933, %broadcast_in_dim3A_934 : vector<16xi1>, vector<16xi32>
      %add3A_936 = arith.addi %add3A_910, %select_n3A_935 : vector<16xi32>
      %ge3A_937 = arith.cmpf oge, %gather3A_931, %get3A_8 : vector<16xf32>
      %broadcast_in_dim3A_938 = vector.broadcast %while3A : i32 to vector<16xi32>
      %broadcast_in_dim3A_939 = vector.broadcast %while3A_105 : i32 to vector<16xi32>
      %select_n3A_940 = arith.select %ge3A_937, %broadcast_in_dim3A_938, %broadcast_in_dim3A_939 : vector<16xi1>, vector<16xi32>
      %add3A_941 = arith.addi %add3A_915, %select_n3A_940 : vector<16xi32>
      %broadcast_in_dim3A_942 = vector.shape_cast %and3A_73 : vector<16xi32> to vector<16x1xi32>
      %gather3A_943 = vector.shape_cast %broadcast_in_dim3A_942 : vector<16x1xi32> to vector<16xi32>
      %gather3A_944 = tpu.dynamic_gather %get3A_811[%gather3A_943] in [0] : vector<16xf32>, vector<16xi32> -> vector<16xf32>
      %ge3A_945 = arith.cmpf oge, %gather3A_944, %get3A_4 : vector<16xf32>
      %broadcast_in_dim3A_946 = vector.broadcast %while3A : i32 to vector<16xi32>
      %broadcast_in_dim3A_947 = vector.broadcast %while3A_105 : i32 to vector<16xi32>
      %select_n3A_948 = arith.select %ge3A_945, %broadcast_in_dim3A_946, %broadcast_in_dim3A_947 : vector<16xi1>, vector<16xi32>
      %add3A_949 = arith.addi %add3A_923, %select_n3A_948 : vector<16xi32>
      %ge3A_950 = arith.cmpf oge, %gather3A_944, %get3A_8 : vector<16xf32>
      %broadcast_in_dim3A_951 = vector.broadcast %while3A : i32 to vector<16xi32>
      %broadcast_in_dim3A_952 = vector.broadcast %while3A_105 : i32 to vector<16xi32>
      %select_n3A_953 = arith.select %ge3A_950, %broadcast_in_dim3A_951, %broadcast_in_dim3A_952 : vector<16xi1>, vector<16xi32>
      %add3A_954 = arith.addi %add3A_928, %select_n3A_953 : vector<16xi32>
      %broadcast_in_dim3A_955 = vector.shape_cast %and3A_79 : vector<16xi32> to vector<16x1xi32>
      %gather3A_956 = vector.shape_cast %broadcast_in_dim3A_955 : vector<16x1xi32> to vector<16xi32>
      %gather3A_957 = tpu.dynamic_gather %get3A_811[%gather3A_956] in [0] : vector<16xf32>, vector<16xi32> -> vector<16xf32>
      %ge3A_958 = arith.cmpf oge, %gather3A_957, %get3A_4 : vector<16xf32>
      %broadcast_in_dim3A_959 = vector.broadcast %while3A : i32 to vector<16xi32>
      %broadcast_in_dim3A_960 = vector.broadcast %while3A_105 : i32 to vector<16xi32>
      %select_n3A_961 = arith.select %ge3A_958, %broadcast_in_dim3A_959, %broadcast_in_dim3A_960 : vector<16xi1>, vector<16xi32>
      %add3A_962 = arith.addi %add3A_936, %select_n3A_961 : vector<16xi32>
      %ge3A_963 = arith.cmpf oge, %gather3A_957, %get3A_8 : vector<16xf32>
      %broadcast_in_dim3A_964 = vector.broadcast %while3A : i32 to vector<16xi32>
      %broadcast_in_dim3A_965 = vector.broadcast %while3A_105 : i32 to vector<16xi32>
      %select_n3A_966 = arith.select %ge3A_963, %broadcast_in_dim3A_964, %broadcast_in_dim3A_965 : vector<16xi1>, vector<16xi32>
      %add3A_967 = arith.addi %add3A_941, %select_n3A_966 : vector<16xi32>
      %broadcast_in_dim3A_968 = vector.shape_cast %and3A_85 : vector<16xi32> to vector<16x1xi32>
      %gather3A_969 = vector.shape_cast %broadcast_in_dim3A_968 : vector<16x1xi32> to vector<16xi32>
      %gather3A_970 = tpu.dynamic_gather %get3A_811[%gather3A_969] in [0] : vector<16xf32>, vector<16xi32> -> vector<16xf32>
      %ge3A_971 = arith.cmpf oge, %gather3A_970, %get3A_4 : vector<16xf32>
      %broadcast_in_dim3A_972 = vector.broadcast %while3A : i32 to vector<16xi32>
      %broadcast_in_dim3A_973 = vector.broadcast %while3A_105 : i32 to vector<16xi32>
      %select_n3A_974 = arith.select %ge3A_971, %broadcast_in_dim3A_972, %broadcast_in_dim3A_973 : vector<16xi1>, vector<16xi32>
      %add3A_975 = arith.addi %add3A_949, %select_n3A_974 : vector<16xi32>
      %ge3A_976 = arith.cmpf oge, %gather3A_970, %get3A_8 : vector<16xf32>
      %broadcast_in_dim3A_977 = vector.broadcast %while3A : i32 to vector<16xi32>
      %broadcast_in_dim3A_978 = vector.broadcast %while3A_105 : i32 to vector<16xi32>
      %select_n3A_979 = arith.select %ge3A_976, %broadcast_in_dim3A_977, %broadcast_in_dim3A_978 : vector<16xi1>, vector<16xi32>
      %add3A_980 = arith.addi %add3A_954, %select_n3A_979 : vector<16xi32>
      %broadcast_in_dim3A_981 = vector.shape_cast %and3A_91 : vector<16xi32> to vector<16x1xi32>
      %gather3A_982 = vector.shape_cast %broadcast_in_dim3A_981 : vector<16x1xi32> to vector<16xi32>
      %gather3A_983 = tpu.dynamic_gather %get3A_811[%gather3A_982] in [0] : vector<16xf32>, vector<16xi32> -> vector<16xf32>
      %ge3A_984 = arith.cmpf oge, %gather3A_983, %get3A_4 : vector<16xf32>
      %broadcast_in_dim3A_985 = vector.broadcast %while3A : i32 to vector<16xi32>
      %broadcast_in_dim3A_986 = vector.broadcast %while3A_105 : i32 to vector<16xi32>
      %select_n3A_987 = arith.select %ge3A_984, %broadcast_in_dim3A_985, %broadcast_in_dim3A_986 : vector<16xi1>, vector<16xi32>
      %add3A_988 = arith.addi %add3A_962, %select_n3A_987 : vector<16xi32>
      %ge3A_989 = arith.cmpf oge, %gather3A_983, %get3A_8 : vector<16xf32>
      %broadcast_in_dim3A_990 = vector.broadcast %while3A : i32 to vector<16xi32>
      %broadcast_in_dim3A_991 = vector.broadcast %while3A_105 : i32 to vector<16xi32>
      %select_n3A_992 = arith.select %ge3A_989, %broadcast_in_dim3A_990, %broadcast_in_dim3A_991 : vector<16xi1>, vector<16xi32>
      %add3A_993 = arith.addi %add3A_967, %select_n3A_992 : vector<16xi32>
      %broadcast_in_dim3A_994 = vector.shape_cast %and3A_97 : vector<16xi32> to vector<16x1xi32>
      %gather3A_995 = vector.shape_cast %broadcast_in_dim3A_994 : vector<16x1xi32> to vector<16xi32>
      %gather3A_996 = tpu.dynamic_gather %get3A_811[%gather3A_995] in [0] : vector<16xf32>, vector<16xi32> -> vector<16xf32>
      %ge3A_997 = arith.cmpf oge, %gather3A_996, %get3A_4 : vector<16xf32>
      %broadcast_in_dim3A_998 = vector.broadcast %while3A : i32 to vector<16xi32>
      %broadcast_in_dim3A_999 = vector.broadcast %while3A_105 : i32 to vector<16xi32>
      %select_n3A_1000 = arith.select %ge3A_997, %broadcast_in_dim3A_998, %broadcast_in_dim3A_999 : vector<16xi1>, vector<16xi32>
      %add3A_1001 = arith.addi %add3A_975, %select_n3A_1000 : vector<16xi32>
      %ge3A_1002 = arith.cmpf oge, %gather3A_996, %get3A_8 : vector<16xf32>
      %broadcast_in_dim3A_1003 = vector.broadcast %while3A : i32 to vector<16xi32>
      %broadcast_in_dim3A_1004 = vector.broadcast %while3A_105 : i32 to vector<16xi32>
      %select_n3A_1005 = arith.select %ge3A_1002, %broadcast_in_dim3A_1003, %broadcast_in_dim3A_1004 : vector<16xi1>, vector<16xi32>
      %add3A_1006 = arith.addi %add3A_980, %select_n3A_1005 : vector<16xi32>
      %broadcast_in_dim3A_1007 = vector.shape_cast %and3A_103 : vector<16xi32> to vector<16x1xi32>
      %gather3A_1008 = vector.shape_cast %broadcast_in_dim3A_1007 : vector<16x1xi32> to vector<16xi32>
      %gather3A_1009 = tpu.dynamic_gather %get3A_811[%gather3A_1008] in [0] : vector<16xf32>, vector<16xi32> -> vector<16xf32>
      %ge3A_1010 = arith.cmpf oge, %gather3A_1009, %get3A_4 : vector<16xf32>
      %broadcast_in_dim3A_1011 = vector.broadcast %while3A : i32 to vector<16xi32>
      %broadcast_in_dim3A_1012 = vector.broadcast %while3A_105 : i32 to vector<16xi32>
      %select_n3A_1013 = arith.select %ge3A_1010, %broadcast_in_dim3A_1011, %broadcast_in_dim3A_1012 : vector<16xi1>, vector<16xi32>
      %add3A_1014 = arith.addi %add3A_988, %select_n3A_1013 : vector<16xi32>
      %ge3A_1015 = arith.cmpf oge, %gather3A_1009, %get3A_8 : vector<16xf32>
      %broadcast_in_dim3A_1016 = vector.broadcast %while3A : i32 to vector<16xi32>
      %broadcast_in_dim3A_1017 = vector.broadcast %while3A_105 : i32 to vector<16xi32>
      %select_n3A_1018 = arith.select %ge3A_1015, %broadcast_in_dim3A_1016, %broadcast_in_dim3A_1017 : vector<16xi1>, vector<16xi32>
      %add3A_1019 = arith.addi %add3A_993, %select_n3A_1018 : vector<16xi32>
      %add3A_1020 = arith.addi %while3A_805, %add3A_1001 : vector<16xi32>
      %add3A_1021 = arith.addi %add3A_1020, %add3A_1014 : vector<16xi32>
      %add3A_1022 = arith.addi %while3A_806, %add3A_1006 : vector<16xi32>
      %add3A_1023 = arith.addi %add3A_1022, %add3A_1019 : vector<16xi32>
      scf.yield %add3A_1021, %add3A_1023 : vector<16xi32>, vector<16xi32>
    }
    %add3A_117 = arith.constant 2 : i32
    %add3A_118 = arith.addi %mul3A_2, %add3A_117 : i32
    %while3A_119 = arith.constant 1 : i32
    %while3A_120 = arith.constant 0 : i32
    %while3A_121 = arith.constant 32 : i32
    %while3A_122 = arith.subi %while3A_121, %add3A_118 : i32
    %while3A_123 = arith.addi %add3A_118, %while3A_122 : i32
    %while3A_124 = arith.constant 1 : i32
    %while3A_125 = arith.divsi %while3A_122, %while3A_124 : i32
    %while3A_126 = arith.muli %while3A_125, %while3A_124 : i32
    %while3A_127 = arith.addi %add3A_118, %while3A_126 : i32
    %while3A_128 = arith.constant 1 : i32
    %while3A_129:2 = scf.for %while3A_804 = %add3A_118 to %while3A_127 step %while3A_128 iter_args(%while3A_805 = %while3A_116#0, %while3A_806 = %while3A_116#1) -> (vector<16xi32>, vector<16xi32>)  : i32 {
      %mul3A_807 = arith.constant 16 : i32
      %mul3A_808 = arith.muli %while3A_804, %mul3A_807 : i32
      %get3A_809 = arith.index_cast %mul3A_808 : i32 to index
      %get3A_810 = tpu.vector_load %arg4[%get3A_809] {strides = array<i32>} : memref<512xf32, #tpu.memory_space<vmem>>, vector<16xf32>,
      %get3A_811 = vector.shape_cast %get3A_810 : vector<16xf32> to vector<16xf32>
      %broadcast_in_dim3A_812 = vector.shape_cast %and3A_13 : vector<16xi32> to vector<16x1xi32>
      %gather3A_813 = vector.shape_cast %broadcast_in_dim3A_812 : vector<16x1xi32> to vector<16xi32>
      %gather3A_814 = tpu.dynamic_gather %get3A_811[%gather3A_813] in [0] : vector<16xf32>, vector<16xi32> -> vector<16xf32>
      %gt3A_815 = arith.cmpf ogt, %gather3A_814, %get3A_4 : vector<16xf32>
      %broadcast_in_dim3A_816 = vector.broadcast %while3A_119 : i32 to vector<16xi32>
      %broadcast_in_dim3A_817 = vector.broadcast %while3A_120 : i32 to vector<16xi32>
      %select_n3A_818 = arith.select %gt3A_815, %broadcast_in_dim3A_816, %broadcast_in_dim3A_817 : vector<16xi1>, vector<16xi32>
      %add3A_819 = arith.addi %broadcast_in_dim3A_104, %select_n3A_818 : vector<16xi32>
      %gt3A_820 = arith.cmpf ogt, %gather3A_814, %get3A_8 : vector<16xf32>
      %broadcast_in_dim3A_821 = vector.broadcast %while3A_119 : i32 to vector<16xi32>
      %broadcast_in_dim3A_822 = vector.broadcast %while3A_120 : i32 to vector<16xi32>
      %select_n3A_823 = arith.select %gt3A_820, %broadcast_in_dim3A_821, %broadcast_in_dim3A_822 : vector<16xi1>, vector<16xi32>
      %add3A_824 = arith.addi %broadcast_in_dim3A_104, %select_n3A_823 : vector<16xi32>
      %broadcast_in_dim3A_825 = vector.shape_cast %and3A_19 : vector<16xi32> to vector<16x1xi32>
      %gather3A_826 = vector.shape_cast %broadcast_in_dim3A_825 : vector<16x1xi32> to vector<16xi32>
      %gather3A_827 = tpu.dynamic_gather %get3A_811[%gather3A_826] in [0] : vector<16xf32>, vector<16xi32> -> vector<16xf32>
      %gt3A_828 = arith.cmpf ogt, %gather3A_827, %get3A_4 : vector<16xf32>
      %broadcast_in_dim3A_829 = vector.broadcast %while3A_119 : i32 to vector<16xi32>
      %broadcast_in_dim3A_830 = vector.broadcast %while3A_120 : i32 to vector<16xi32>
      %select_n3A_831 = arith.select %gt3A_828, %broadcast_in_dim3A_829, %broadcast_in_dim3A_830 : vector<16xi1>, vector<16xi32>
      %add3A_832 = arith.addi %broadcast_in_dim3A_104, %select_n3A_831 : vector<16xi32>
      %gt3A_833 = arith.cmpf ogt, %gather3A_827, %get3A_8 : vector<16xf32>
      %broadcast_in_dim3A_834 = vector.broadcast %while3A_119 : i32 to vector<16xi32>
      %broadcast_in_dim3A_835 = vector.broadcast %while3A_120 : i32 to vector<16xi32>
      %select_n3A_836 = arith.select %gt3A_833, %broadcast_in_dim3A_834, %broadcast_in_dim3A_835 : vector<16xi1>, vector<16xi32>
      %add3A_837 = arith.addi %broadcast_in_dim3A_104, %select_n3A_836 : vector<16xi32>
      %broadcast_in_dim3A_838 = vector.shape_cast %and3A_25 : vector<16xi32> to vector<16x1xi32>
      %gather3A_839 = vector.shape_cast %broadcast_in_dim3A_838 : vector<16x1xi32> to vector<16xi32>
      %gather3A_840 = tpu.dynamic_gather %get3A_811[%gather3A_839] in [0] : vector<16xf32>, vector<16xi32> -> vector<16xf32>
      %gt3A_841 = arith.cmpf ogt, %gather3A_840, %get3A_4 : vector<16xf32>
      %broadcast_in_dim3A_842 = vector.broadcast %while3A_119 : i32 to vector<16xi32>
      %broadcast_in_dim3A_843 = vector.broadcast %while3A_120 : i32 to vector<16xi32>
      %select_n3A_844 = arith.select %gt3A_841, %broadcast_in_dim3A_842, %broadcast_in_dim3A_843 : vector<16xi1>, vector<16xi32>
      %add3A_845 = arith.addi %add3A_819, %select_n3A_844 : vector<16xi32>
      %gt3A_846 = arith.cmpf ogt, %gather3A_840, %get3A_8 : vector<16xf32>
      %broadcast_in_dim3A_847 = vector.broadcast %while3A_119 : i32 to vector<16xi32>
      %broadcast_in_dim3A_848 = vector.broadcast %while3A_120 : i32 to vector<16xi32>
      %select_n3A_849 = arith.select %gt3A_846, %broadcast_in_dim3A_847, %broadcast_in_dim3A_848 : vector<16xi1>, vector<16xi32>
      %add3A_850 = arith.addi %add3A_824, %select_n3A_849 : vector<16xi32>
      %broadcast_in_dim3A_851 = vector.shape_cast %and3A_31 : vector<16xi32> to vector<16x1xi32>
      %gather3A_852 = vector.shape_cast %broadcast_in_dim3A_851 : vector<16x1xi32> to vector<16xi32>
      %gather3A_853 = tpu.dynamic_gather %get3A_811[%gather3A_852] in [0] : vector<16xf32>, vector<16xi32> -> vector<16xf32>
      %gt3A_854 = arith.cmpf ogt, %gather3A_853, %get3A_4 : vector<16xf32>
      %broadcast_in_dim3A_855 = vector.broadcast %while3A_119 : i32 to vector<16xi32>
      %broadcast_in_dim3A_856 = vector.broadcast %while3A_120 : i32 to vector<16xi32>
      %select_n3A_857 = arith.select %gt3A_854, %broadcast_in_dim3A_855, %broadcast_in_dim3A_856 : vector<16xi1>, vector<16xi32>
      %add3A_858 = arith.addi %add3A_832, %select_n3A_857 : vector<16xi32>
      %gt3A_859 = arith.cmpf ogt, %gather3A_853, %get3A_8 : vector<16xf32>
      %broadcast_in_dim3A_860 = vector.broadcast %while3A_119 : i32 to vector<16xi32>
      %broadcast_in_dim3A_861 = vector.broadcast %while3A_120 : i32 to vector<16xi32>
      %select_n3A_862 = arith.select %gt3A_859, %broadcast_in_dim3A_860, %broadcast_in_dim3A_861 : vector<16xi1>, vector<16xi32>
      %add3A_863 = arith.addi %add3A_837, %select_n3A_862 : vector<16xi32>
      %broadcast_in_dim3A_864 = vector.shape_cast %and3A_37 : vector<16xi32> to vector<16x1xi32>
      %gather3A_865 = vector.shape_cast %broadcast_in_dim3A_864 : vector<16x1xi32> to vector<16xi32>
      %gather3A_866 = tpu.dynamic_gather %get3A_811[%gather3A_865] in [0] : vector<16xf32>, vector<16xi32> -> vector<16xf32>
      %gt3A_867 = arith.cmpf ogt, %gather3A_866, %get3A_4 : vector<16xf32>
      %broadcast_in_dim3A_868 = vector.broadcast %while3A_119 : i32 to vector<16xi32>
      %broadcast_in_dim3A_869 = vector.broadcast %while3A_120 : i32 to vector<16xi32>
      %select_n3A_870 = arith.select %gt3A_867, %broadcast_in_dim3A_868, %broadcast_in_dim3A_869 : vector<16xi1>, vector<16xi32>
      %add3A_871 = arith.addi %add3A_845, %select_n3A_870 : vector<16xi32>
      %gt3A_872 = arith.cmpf ogt, %gather3A_866, %get3A_8 : vector<16xf32>
      %broadcast_in_dim3A_873 = vector.broadcast %while3A_119 : i32 to vector<16xi32>
      %broadcast_in_dim3A_874 = vector.broadcast %while3A_120 : i32 to vector<16xi32>
      %select_n3A_875 = arith.select %gt3A_872, %broadcast_in_dim3A_873, %broadcast_in_dim3A_874 : vector<16xi1>, vector<16xi32>
      %add3A_876 = arith.addi %add3A_850, %select_n3A_875 : vector<16xi32>
      %broadcast_in_dim3A_877 = vector.shape_cast %and3A_43 : vector<16xi32> to vector<16x1xi32>
      %gather3A_878 = vector.shape_cast %broadcast_in_dim3A_877 : vector<16x1xi32> to vector<16xi32>
      %gather3A_879 = tpu.dynamic_gather %get3A_811[%gather3A_878] in [0] : vector<16xf32>, vector<16xi32> -> vector<16xf32>
      %gt3A_880 = arith.cmpf ogt, %gather3A_879, %get3A_4 : vector<16xf32>
      %broadcast_in_dim3A_881 = vector.broadcast %while3A_119 : i32 to vector<16xi32>
      %broadcast_in_dim3A_882 = vector.broadcast %while3A_120 : i32 to vector<16xi32>
      %select_n3A_883 = arith.select %gt3A_880, %broadcast_in_dim3A_881, %broadcast_in_dim3A_882 : vector<16xi1>, vector<16xi32>
      %add3A_884 = arith.addi %add3A_858, %select_n3A_883 : vector<16xi32>
      %gt3A_885 = arith.cmpf ogt, %gather3A_879, %get3A_8 : vector<16xf32>
      %broadcast_in_dim3A_886 = vector.broadcast %while3A_119 : i32 to vector<16xi32>
      %broadcast_in_dim3A_887 = vector.broadcast %while3A_120 : i32 to vector<16xi32>
      %select_n3A_888 = arith.select %gt3A_885, %broadcast_in_dim3A_886, %broadcast_in_dim3A_887 : vector<16xi1>, vector<16xi32>
      %add3A_889 = arith.addi %add3A_863, %select_n3A_888 : vector<16xi32>
      %broadcast_in_dim3A_890 = vector.shape_cast %and3A_49 : vector<16xi32> to vector<16x1xi32>
      %gather3A_891 = vector.shape_cast %broadcast_in_dim3A_890 : vector<16x1xi32> to vector<16xi32>
      %gather3A_892 = tpu.dynamic_gather %get3A_811[%gather3A_891] in [0] : vector<16xf32>, vector<16xi32> -> vector<16xf32>
      %gt3A_893 = arith.cmpf ogt, %gather3A_892, %get3A_4 : vector<16xf32>
      %broadcast_in_dim3A_894 = vector.broadcast %while3A_119 : i32 to vector<16xi32>
      %broadcast_in_dim3A_895 = vector.broadcast %while3A_120 : i32 to vector<16xi32>
      %select_n3A_896 = arith.select %gt3A_893, %broadcast_in_dim3A_894, %broadcast_in_dim3A_895 : vector<16xi1>, vector<16xi32>
      %add3A_897 = arith.addi %add3A_871, %select_n3A_896 : vector<16xi32>
      %gt3A_898 = arith.cmpf ogt, %gather3A_892, %get3A_8 : vector<16xf32>
      %broadcast_in_dim3A_899 = vector.broadcast %while3A_119 : i32 to vector<16xi32>
      %broadcast_in_dim3A_900 = vector.broadcast %while3A_120 : i32 to vector<16xi32>
      %select_n3A_901 = arith.select %gt3A_898, %broadcast_in_dim3A_899, %broadcast_in_dim3A_900 : vector<16xi1>, vector<16xi32>
      %add3A_902 = arith.addi %add3A_876, %select_n3A_901 : vector<16xi32>
      %broadcast_in_dim3A_903 = vector.shape_cast %and3A_55 : vector<16xi32> to vector<16x1xi32>
      %gather3A_904 = vector.shape_cast %broadcast_in_dim3A_903 : vector<16x1xi32> to vector<16xi32>
      %gather3A_905 = tpu.dynamic_gather %get3A_811[%gather3A_904] in [0] : vector<16xf32>, vector<16xi32> -> vector<16xf32>
      %gt3A_906 = arith.cmpf ogt, %gather3A_905, %get3A_4 : vector<16xf32>
      %broadcast_in_dim3A_907 = vector.broadcast %while3A_119 : i32 to vector<16xi32>
      %broadcast_in_dim3A_908 = vector.broadcast %while3A_120 : i32 to vector<16xi32>
      %select_n3A_909 = arith.select %gt3A_906, %broadcast_in_dim3A_907, %broadcast_in_dim3A_908 : vector<16xi1>, vector<16xi32>
      %add3A_910 = arith.addi %add3A_884, %select_n3A_909 : vector<16xi32>
      %gt3A_911 = arith.cmpf ogt, %gather3A_905, %get3A_8 : vector<16xf32>
      %broadcast_in_dim3A_912 = vector.broadcast %while3A_119 : i32 to vector<16xi32>
      %broadcast_in_dim3A_913 = vector.broadcast %while3A_120 : i32 to vector<16xi32>
      %select_n3A_914 = arith.select %gt3A_911, %broadcast_in_dim3A_912, %broadcast_in_dim3A_913 : vector<16xi1>, vector<16xi32>
      %add3A_915 = arith.addi %add3A_889, %select_n3A_914 : vector<16xi32>
      %broadcast_in_dim3A_916 = vector.shape_cast %and3A_61 : vector<16xi32> to vector<16x1xi32>
      %gather3A_917 = vector.shape_cast %broadcast_in_dim3A_916 : vector<16x1xi32> to vector<16xi32>
      %gather3A_918 = tpu.dynamic_gather %get3A_811[%gather3A_917] in [0] : vector<16xf32>, vector<16xi32> -> vector<16xf32>
      %gt3A_919 = arith.cmpf ogt, %gather3A_918, %get3A_4 : vector<16xf32>
      %broadcast_in_dim3A_920 = vector.broadcast %while3A_119 : i32 to vector<16xi32>
      %broadcast_in_dim3A_921 = vector.broadcast %while3A_120 : i32 to vector<16xi32>
      %select_n3A_922 = arith.select %gt3A_919, %broadcast_in_dim3A_920, %broadcast_in_dim3A_921 : vector<16xi1>, vector<16xi32>
      %add3A_923 = arith.addi %add3A_897, %select_n3A_922 : vector<16xi32>
      %gt3A_924 = arith.cmpf ogt, %gather3A_918, %get3A_8 : vector<16xf32>
      %broadcast_in_dim3A_925 = vector.broadcast %while3A_119 : i32 to vector<16xi32>
      %broadcast_in_dim3A_926 = vector.broadcast %while3A_120 : i32 to vector<16xi32>
      %select_n3A_927 = arith.select %gt3A_924, %broadcast_in_dim3A_925, %broadcast_in_dim3A_926 : vector<16xi1>, vector<16xi32>
      %add3A_928 = arith.addi %add3A_902, %select_n3A_927 : vector<16xi32>
      %broadcast_in_dim3A_929 = vector.shape_cast %and3A_67 : vector<16xi32> to vector<16x1xi32>
      %gather3A_930 = vector.shape_cast %broadcast_in_dim3A_929 : vector<16x1xi32> to vector<16xi32>
      %gather3A_931 = tpu.dynamic_gather %get3A_811[%gather3A_930] in [0] : vector<16xf32>, vector<16xi32> -> vector<16xf32>
      %gt3A_932 = arith.cmpf ogt, %gather3A_931, %get3A_4 : vector<16xf32>
      %broadcast_in_dim3A_933 = vector.broadcast %while3A_119 : i32 to vector<16xi32>
      %broadcast_in_dim3A_934 = vector.broadcast %while3A_120 : i32 to vector<16xi32>
      %select_n3A_935 = arith.select %gt3A_932, %broadcast_in_dim3A_933, %broadcast_in_dim3A_934 : vector<16xi1>, vector<16xi32>
      %add3A_936 = arith.addi %add3A_910, %select_n3A_935 : vector<16xi32>
      %gt3A_937 = arith.cmpf ogt, %gather3A_931, %get3A_8 : vector<16xf32>
      %broadcast_in_dim3A_938 = vector.broadcast %while3A_119 : i32 to vector<16xi32>
      %broadcast_in_dim3A_939 = vector.broadcast %while3A_120 : i32 to vector<16xi32>
      %select_n3A_940 = arith.select %gt3A_937, %broadcast_in_dim3A_938, %broadcast_in_dim3A_939 : vector<16xi1>, vector<16xi32>
      %add3A_941 = arith.addi %add3A_915, %select_n3A_940 : vector<16xi32>
      %broadcast_in_dim3A_942 = vector.shape_cast %and3A_73 : vector<16xi32> to vector<16x1xi32>
      %gather3A_943 = vector.shape_cast %broadcast_in_dim3A_942 : vector<16x1xi32> to vector<16xi32>
      %gather3A_944 = tpu.dynamic_gather %get3A_811[%gather3A_943] in [0] : vector<16xf32>, vector<16xi32> -> vector<16xf32>
      %gt3A_945 = arith.cmpf ogt, %gather3A_944, %get3A_4 : vector<16xf32>
      %broadcast_in_dim3A_946 = vector.broadcast %while3A_119 : i32 to vector<16xi32>
      %broadcast_in_dim3A_947 = vector.broadcast %while3A_120 : i32 to vector<16xi32>
      %select_n3A_948 = arith.select %gt3A_945, %broadcast_in_dim3A_946, %broadcast_in_dim3A_947 : vector<16xi1>, vector<16xi32>
      %add3A_949 = arith.addi %add3A_923, %select_n3A_948 : vector<16xi32>
      %gt3A_950 = arith.cmpf ogt, %gather3A_944, %get3A_8 : vector<16xf32>
      %broadcast_in_dim3A_951 = vector.broadcast %while3A_119 : i32 to vector<16xi32>
      %broadcast_in_dim3A_952 = vector.broadcast %while3A_120 : i32 to vector<16xi32>
      %select_n3A_953 = arith.select %gt3A_950, %broadcast_in_dim3A_951, %broadcast_in_dim3A_952 : vector<16xi1>, vector<16xi32>
      %add3A_954 = arith.addi %add3A_928, %select_n3A_953 : vector<16xi32>
      %broadcast_in_dim3A_955 = vector.shape_cast %and3A_79 : vector<16xi32> to vector<16x1xi32>
      %gather3A_956 = vector.shape_cast %broadcast_in_dim3A_955 : vector<16x1xi32> to vector<16xi32>
      %gather3A_957 = tpu.dynamic_gather %get3A_811[%gather3A_956] in [0] : vector<16xf32>, vector<16xi32> -> vector<16xf32>
      %gt3A_958 = arith.cmpf ogt, %gather3A_957, %get3A_4 : vector<16xf32>
      %broadcast_in_dim3A_959 = vector.broadcast %while3A_119 : i32 to vector<16xi32>
      %broadcast_in_dim3A_960 = vector.broadcast %while3A_120 : i32 to vector<16xi32>
      %select_n3A_961 = arith.select %gt3A_958, %broadcast_in_dim3A_959, %broadcast_in_dim3A_960 : vector<16xi1>, vector<16xi32>
      %add3A_962 = arith.addi %add3A_936, %select_n3A_961 : vector<16xi32>
      %gt3A_963 = arith.cmpf ogt, %gather3A_957, %get3A_8 : vector<16xf32>
      %broadcast_in_dim3A_964 = vector.broadcast %while3A_119 : i32 to vector<16xi32>
      %broadcast_in_dim3A_965 = vector.broadcast %while3A_120 : i32 to vector<16xi32>
      %select_n3A_966 = arith.select %gt3A_963, %broadcast_in_dim3A_964, %broadcast_in_dim3A_965 : vector<16xi1>, vector<16xi32>
      %add3A_967 = arith.addi %add3A_941, %select_n3A_966 : vector<16xi32>
      %broadcast_in_dim3A_968 = vector.shape_cast %and3A_85 : vector<16xi32> to vector<16x1xi32>
      %gather3A_969 = vector.shape_cast %broadcast_in_dim3A_968 : vector<16x1xi32> to vector<16xi32>
      %gather3A_970 = tpu.dynamic_gather %get3A_811[%gather3A_969] in [0] : vector<16xf32>, vector<16xi32> -> vector<16xf32>
      %gt3A_971 = arith.cmpf ogt, %gather3A_970, %get3A_4 : vector<16xf32>
      %broadcast_in_dim3A_972 = vector.broadcast %while3A_119 : i32 to vector<16xi32>
      %broadcast_in_dim3A_973 = vector.broadcast %while3A_120 : i32 to vector<16xi32>
      %select_n3A_974 = arith.select %gt3A_971, %broadcast_in_dim3A_972, %broadcast_in_dim3A_973 : vector<16xi1>, vector<16xi32>
      %add3A_975 = arith.addi %add3A_949, %select_n3A_974 : vector<16xi32>
      %gt3A_976 = arith.cmpf ogt, %gather3A_970, %get3A_8 : vector<16xf32>
      %broadcast_in_dim3A_977 = vector.broadcast %while3A_119 : i32 to vector<16xi32>
      %broadcast_in_dim3A_978 = vector.broadcast %while3A_120 : i32 to vector<16xi32>
      %select_n3A_979 = arith.select %gt3A_976, %broadcast_in_dim3A_977, %broadcast_in_dim3A_978 : vector<16xi1>, vector<16xi32>
      %add3A_980 = arith.addi %add3A_954, %select_n3A_979 : vector<16xi32>
      %broadcast_in_dim3A_981 = vector.shape_cast %and3A_91 : vector<16xi32> to vector<16x1xi32>
      %gather3A_982 = vector.shape_cast %broadcast_in_dim3A_981 : vector<16x1xi32> to vector<16xi32>
      %gather3A_983 = tpu.dynamic_gather %get3A_811[%gather3A_982] in [0] : vector<16xf32>, vector<16xi32> -> vector<16xf32>
      %gt3A_984 = arith.cmpf ogt, %gather3A_983, %get3A_4 : vector<16xf32>
      %broadcast_in_dim3A_985 = vector.broadcast %while3A_119 : i32 to vector<16xi32>
      %broadcast_in_dim3A_986 = vector.broadcast %while3A_120 : i32 to vector<16xi32>
      %select_n3A_987 = arith.select %gt3A_984, %broadcast_in_dim3A_985, %broadcast_in_dim3A_986 : vector<16xi1>, vector<16xi32>
      %add3A_988 = arith.addi %add3A_962, %select_n3A_987 : vector<16xi32>
      %gt3A_989 = arith.cmpf ogt, %gather3A_983, %get3A_8 : vector<16xf32>
      %broadcast_in_dim3A_990 = vector.broadcast %while3A_119 : i32 to vector<16xi32>
      %broadcast_in_dim3A_991 = vector.broadcast %while3A_120 : i32 to vector<16xi32>
      %select_n3A_992 = arith.select %gt3A_989, %broadcast_in_dim3A_990, %broadcast_in_dim3A_991 : vector<16xi1>, vector<16xi32>
      %add3A_993 = arith.addi %add3A_967, %select_n3A_992 : vector<16xi32>
      %broadcast_in_dim3A_994 = vector.shape_cast %and3A_97 : vector<16xi32> to vector<16x1xi32>
      %gather3A_995 = vector.shape_cast %broadcast_in_dim3A_994 : vector<16x1xi32> to vector<16xi32>
      %gather3A_996 = tpu.dynamic_gather %get3A_811[%gather3A_995] in [0] : vector<16xf32>, vector<16xi32> -> vector<16xf32>
      %gt3A_997 = arith.cmpf ogt, %gather3A_996, %get3A_4 : vector<16xf32>
      %broadcast_in_dim3A_998 = vector.broadcast %while3A_119 : i32 to vector<16xi32>
      %broadcast_in_dim3A_999 = vector.broadcast %while3A_120 : i32 to vector<16xi32>
      %select_n3A_1000 = arith.select %gt3A_997, %broadcast_in_dim3A_998, %broadcast_in_dim3A_999 : vector<16xi1>, vector<16xi32>
      %add3A_1001 = arith.addi %add3A_975, %select_n3A_1000 : vector<16xi32>
      %gt3A_1002 = arith.cmpf ogt, %gather3A_996, %get3A_8 : vector<16xf32>
      %broadcast_in_dim3A_1003 = vector.broadcast %while3A_119 : i32 to vector<16xi32>
      %broadcast_in_dim3A_1004 = vector.broadcast %while3A_120 : i32 to vector<16xi32>
      %select_n3A_1005 = arith.select %gt3A_1002, %broadcast_in_dim3A_1003, %broadcast_in_dim3A_1004 : vector<16xi1>, vector<16xi32>
      %add3A_1006 = arith.addi %add3A_980, %select_n3A_1005 : vector<16xi32>
      %broadcast_in_dim3A_1007 = vector.shape_cast %and3A_103 : vector<16xi32> to vector<16x1xi32>
      %gather3A_1008 = vector.shape_cast %broadcast_in_dim3A_1007 : vector<16x1xi32> to vector<16xi32>
      %gather3A_1009 = tpu.dynamic_gather %get3A_811[%gather3A_1008] in [0] : vector<16xf32>, vector<16xi32> -> vector<16xf32>
      %gt3A_1010 = arith.cmpf ogt, %gather3A_1009, %get3A_4 : vector<16xf32>
      %broadcast_in_dim3A_1011 = vector.broadcast %while3A_119 : i32 to vector<16xi32>
      %broadcast_in_dim3A_1012 = vector.broadcast %while3A_120 : i32 to vector<16xi32>
      %select_n3A_1013 = arith.select %gt3A_1010, %broadcast_in_dim3A_1011, %broadcast_in_dim3A_1012 : vector<16xi1>, vector<16xi32>
      %add3A_1014 = arith.addi %add3A_988, %select_n3A_1013 : vector<16xi32>
      %gt3A_1015 = arith.cmpf ogt, %gather3A_1009, %get3A_8 : vector<16xf32>
      %broadcast_in_dim3A_1016 = vector.broadcast %while3A_119 : i32 to vector<16xi32>
      %broadcast_in_dim3A_1017 = vector.broadcast %while3A_120 : i32 to vector<16xi32>
      %select_n3A_1018 = arith.select %gt3A_1015, %broadcast_in_dim3A_1016, %broadcast_in_dim3A_1017 : vector<16xi1>, vector<16xi32>
      %add3A_1019 = arith.addi %add3A_993, %select_n3A_1018 : vector<16xi32>
      %add3A_1020 = arith.addi %while3A_805, %add3A_1001 : vector<16xi32>
      %add3A_1021 = arith.addi %add3A_1020, %add3A_1014 : vector<16xi32>
      %add3A_1022 = arith.addi %while3A_806, %add3A_1006 : vector<16xi32>
      %add3A_1023 = arith.addi %add3A_1022, %add3A_1019 : vector<16xi32>
      scf.yield %add3A_1021, %add3A_1023 : vector<16xi32>, vector<16xi32>
    }
    %while3A_130 = arith.constant 1 : i32
    %while3A_131:2 = scf.for %while3A_804 = %while3A_127 to %while3A_123 step %while3A_130 iter_args(%while3A_805 = %while3A_129#0, %while3A_806 = %while3A_129#1) -> (vector<16xi32>, vector<16xi32>)  : i32 {
      %mul3A_807 = arith.constant 16 : i32
      %mul3A_808 = arith.muli %while3A_804, %mul3A_807 : i32
      %get3A_809 = arith.index_cast %mul3A_808 : i32 to index
      %get3A_810 = tpu.vector_load %arg4[%get3A_809] {strides = array<i32>} : memref<512xf32, #tpu.memory_space<vmem>>, vector<16xf32>,
      %get3A_811 = vector.shape_cast %get3A_810 : vector<16xf32> to vector<16xf32>
      %broadcast_in_dim3A_812 = vector.shape_cast %and3A_13 : vector<16xi32> to vector<16x1xi32>
      %gather3A_813 = vector.shape_cast %broadcast_in_dim3A_812 : vector<16x1xi32> to vector<16xi32>
      %gather3A_814 = tpu.dynamic_gather %get3A_811[%gather3A_813] in [0] : vector<16xf32>, vector<16xi32> -> vector<16xf32>
      %gt3A_815 = arith.cmpf ogt, %gather3A_814, %get3A_4 : vector<16xf32>
      %broadcast_in_dim3A_816 = vector.broadcast %while3A_119 : i32 to vector<16xi32>
      %broadcast_in_dim3A_817 = vector.broadcast %while3A_120 : i32 to vector<16xi32>
      %select_n3A_818 = arith.select %gt3A_815, %broadcast_in_dim3A_816, %broadcast_in_dim3A_817 : vector<16xi1>, vector<16xi32>
      %add3A_819 = arith.addi %broadcast_in_dim3A_104, %select_n3A_818 : vector<16xi32>
      %gt3A_820 = arith.cmpf ogt, %gather3A_814, %get3A_8 : vector<16xf32>
      %broadcast_in_dim3A_821 = vector.broadcast %while3A_119 : i32 to vector<16xi32>
      %broadcast_in_dim3A_822 = vector.broadcast %while3A_120 : i32 to vector<16xi32>
      %select_n3A_823 = arith.select %gt3A_820, %broadcast_in_dim3A_821, %broadcast_in_dim3A_822 : vector<16xi1>, vector<16xi32>
      %add3A_824 = arith.addi %broadcast_in_dim3A_104, %select_n3A_823 : vector<16xi32>
      %broadcast_in_dim3A_825 = vector.shape_cast %and3A_19 : vector<16xi32> to vector<16x1xi32>
      %gather3A_826 = vector.shape_cast %broadcast_in_dim3A_825 : vector<16x1xi32> to vector<16xi32>
      %gather3A_827 = tpu.dynamic_gather %get3A_811[%gather3A_826] in [0] : vector<16xf32>, vector<16xi32> -> vector<16xf32>
      %gt3A_828 = arith.cmpf ogt, %gather3A_827, %get3A_4 : vector<16xf32>
      %broadcast_in_dim3A_829 = vector.broadcast %while3A_119 : i32 to vector<16xi32>
      %broadcast_in_dim3A_830 = vector.broadcast %while3A_120 : i32 to vector<16xi32>
      %select_n3A_831 = arith.select %gt3A_828, %broadcast_in_dim3A_829, %broadcast_in_dim3A_830 : vector<16xi1>, vector<16xi32>
      %add3A_832 = arith.addi %broadcast_in_dim3A_104, %select_n3A_831 : vector<16xi32>
      %gt3A_833 = arith.cmpf ogt, %gather3A_827, %get3A_8 : vector<16xf32>
      %broadcast_in_dim3A_834 = vector.broadcast %while3A_119 : i32 to vector<16xi32>
      %broadcast_in_dim3A_835 = vector.broadcast %while3A_120 : i32 to vector<16xi32>
      %select_n3A_836 = arith.select %gt3A_833, %broadcast_in_dim3A_834, %broadcast_in_dim3A_835 : vector<16xi1>, vector<16xi32>
      %add3A_837 = arith.addi %broadcast_in_dim3A_104, %select_n3A_836 : vector<16xi32>
      %broadcast_in_dim3A_838 = vector.shape_cast %and3A_25 : vector<16xi32> to vector<16x1xi32>
      %gather3A_839 = vector.shape_cast %broadcast_in_dim3A_838 : vector<16x1xi32> to vector<16xi32>
      %gather3A_840 = tpu.dynamic_gather %get3A_811[%gather3A_839] in [0] : vector<16xf32>, vector<16xi32> -> vector<16xf32>
      %gt3A_841 = arith.cmpf ogt, %gather3A_840, %get3A_4 : vector<16xf32>
      %broadcast_in_dim3A_842 = vector.broadcast %while3A_119 : i32 to vector<16xi32>
      %broadcast_in_dim3A_843 = vector.broadcast %while3A_120 : i32 to vector<16xi32>
      %select_n3A_844 = arith.select %gt3A_841, %broadcast_in_dim3A_842, %broadcast_in_dim3A_843 : vector<16xi1>, vector<16xi32>
      %add3A_845 = arith.addi %add3A_819, %select_n3A_844 : vector<16xi32>
      %gt3A_846 = arith.cmpf ogt, %gather3A_840, %get3A_8 : vector<16xf32>
      %broadcast_in_dim3A_847 = vector.broadcast %while3A_119 : i32 to vector<16xi32>
      %broadcast_in_dim3A_848 = vector.broadcast %while3A_120 : i32 to vector<16xi32>
      %select_n3A_849 = arith.select %gt3A_846, %broadcast_in_dim3A_847, %broadcast_in_dim3A_848 : vector<16xi1>, vector<16xi32>
      %add3A_850 = arith.addi %add3A_824, %select_n3A_849 : vector<16xi32>
      %broadcast_in_dim3A_851 = vector.shape_cast %and3A_31 : vector<16xi32> to vector<16x1xi32>
      %gather3A_852 = vector.shape_cast %broadcast_in_dim3A_851 : vector<16x1xi32> to vector<16xi32>
      %gather3A_853 = tpu.dynamic_gather %get3A_811[%gather3A_852] in [0] : vector<16xf32>, vector<16xi32> -> vector<16xf32>
      %gt3A_854 = arith.cmpf ogt, %gather3A_853, %get3A_4 : vector<16xf32>
      %broadcast_in_dim3A_855 = vector.broadcast %while3A_119 : i32 to vector<16xi32>
      %broadcast_in_dim3A_856 = vector.broadcast %while3A_120 : i32 to vector<16xi32>
      %select_n3A_857 = arith.select %gt3A_854, %broadcast_in_dim3A_855, %broadcast_in_dim3A_856 : vector<16xi1>, vector<16xi32>
      %add3A_858 = arith.addi %add3A_832, %select_n3A_857 : vector<16xi32>
      %gt3A_859 = arith.cmpf ogt, %gather3A_853, %get3A_8 : vector<16xf32>
      %broadcast_in_dim3A_860 = vector.broadcast %while3A_119 : i32 to vector<16xi32>
      %broadcast_in_dim3A_861 = vector.broadcast %while3A_120 : i32 to vector<16xi32>
      %select_n3A_862 = arith.select %gt3A_859, %broadcast_in_dim3A_860, %broadcast_in_dim3A_861 : vector<16xi1>, vector<16xi32>
      %add3A_863 = arith.addi %add3A_837, %select_n3A_862 : vector<16xi32>
      %broadcast_in_dim3A_864 = vector.shape_cast %and3A_37 : vector<16xi32> to vector<16x1xi32>
      %gather3A_865 = vector.shape_cast %broadcast_in_dim3A_864 : vector<16x1xi32> to vector<16xi32>
      %gather3A_866 = tpu.dynamic_gather %get3A_811[%gather3A_865] in [0] : vector<16xf32>, vector<16xi32> -> vector<16xf32>
      %gt3A_867 = arith.cmpf ogt, %gather3A_866, %get3A_4 : vector<16xf32>
      %broadcast_in_dim3A_868 = vector.broadcast %while3A_119 : i32 to vector<16xi32>
      %broadcast_in_dim3A_869 = vector.broadcast %while3A_120 : i32 to vector<16xi32>
      %select_n3A_870 = arith.select %gt3A_867, %broadcast_in_dim3A_868, %broadcast_in_dim3A_869 : vector<16xi1>, vector<16xi32>
      %add3A_871 = arith.addi %add3A_845, %select_n3A_870 : vector<16xi32>
      %gt3A_872 = arith.cmpf ogt, %gather3A_866, %get3A_8 : vector<16xf32>
      %broadcast_in_dim3A_873 = vector.broadcast %while3A_119 : i32 to vector<16xi32>
      %broadcast_in_dim3A_874 = vector.broadcast %while3A_120 : i32 to vector<16xi32>
      %select_n3A_875 = arith.select %gt3A_872, %broadcast_in_dim3A_873, %broadcast_in_dim3A_874 : vector<16xi1>, vector<16xi32>
      %add3A_876 = arith.addi %add3A_850, %select_n3A_875 : vector<16xi32>
      %broadcast_in_dim3A_877 = vector.shape_cast %and3A_43 : vector<16xi32> to vector<16x1xi32>
      %gather3A_878 = vector.shape_cast %broadcast_in_dim3A_877 : vector<16x1xi32> to vector<16xi32>
      %gather3A_879 = tpu.dynamic_gather %get3A_811[%gather3A_878] in [0] : vector<16xf32>, vector<16xi32> -> vector<16xf32>
      %gt3A_880 = arith.cmpf ogt, %gather3A_879, %get3A_4 : vector<16xf32>
      %broadcast_in_dim3A_881 = vector.broadcast %while3A_119 : i32 to vector<16xi32>
      %broadcast_in_dim3A_882 = vector.broadcast %while3A_120 : i32 to vector<16xi32>
      %select_n3A_883 = arith.select %gt3A_880, %broadcast_in_dim3A_881, %broadcast_in_dim3A_882 : vector<16xi1>, vector<16xi32>
      %add3A_884 = arith.addi %add3A_858, %select_n3A_883 : vector<16xi32>
      %gt3A_885 = arith.cmpf ogt, %gather3A_879, %get3A_8 : vector<16xf32>
      %broadcast_in_dim3A_886 = vector.broadcast %while3A_119 : i32 to vector<16xi32>
      %broadcast_in_dim3A_887 = vector.broadcast %while3A_120 : i32 to vector<16xi32>
      %select_n3A_888 = arith.select %gt3A_885, %broadcast_in_dim3A_886, %broadcast_in_dim3A_887 : vector<16xi1>, vector<16xi32>
      %add3A_889 = arith.addi %add3A_863, %select_n3A_888 : vector<16xi32>
      %broadcast_in_dim3A_890 = vector.shape_cast %and3A_49 : vector<16xi32> to vector<16x1xi32>
      %gather3A_891 = vector.shape_cast %broadcast_in_dim3A_890 : vector<16x1xi32> to vector<16xi32>
      %gather3A_892 = tpu.dynamic_gather %get3A_811[%gather3A_891] in [0] : vector<16xf32>, vector<16xi32> -> vector<16xf32>
      %gt3A_893 = arith.cmpf ogt, %gather3A_892, %get3A_4 : vector<16xf32>
      %broadcast_in_dim3A_894 = vector.broadcast %while3A_119 : i32 to vector<16xi32>
      %broadcast_in_dim3A_895 = vector.broadcast %while3A_120 : i32 to vector<16xi32>
      %select_n3A_896 = arith.select %gt3A_893, %broadcast_in_dim3A_894, %broadcast_in_dim3A_895 : vector<16xi1>, vector<16xi32>
      %add3A_897 = arith.addi %add3A_871, %select_n3A_896 : vector<16xi32>
      %gt3A_898 = arith.cmpf ogt, %gather3A_892, %get3A_8 : vector<16xf32>
      %broadcast_in_dim3A_899 = vector.broadcast %while3A_119 : i32 to vector<16xi32>
      %broadcast_in_dim3A_900 = vector.broadcast %while3A_120 : i32 to vector<16xi32>
      %select_n3A_901 = arith.select %gt3A_898, %broadcast_in_dim3A_899, %broadcast_in_dim3A_900 : vector<16xi1>, vector<16xi32>
      %add3A_902 = arith.addi %add3A_876, %select_n3A_901 : vector<16xi32>
      %broadcast_in_dim3A_903 = vector.shape_cast %and3A_55 : vector<16xi32> to vector<16x1xi32>
      %gather3A_904 = vector.shape_cast %broadcast_in_dim3A_903 : vector<16x1xi32> to vector<16xi32>
      %gather3A_905 = tpu.dynamic_gather %get3A_811[%gather3A_904] in [0] : vector<16xf32>, vector<16xi32> -> vector<16xf32>
      %gt3A_906 = arith.cmpf ogt, %gather3A_905, %get3A_4 : vector<16xf32>
      %broadcast_in_dim3A_907 = vector.broadcast %while3A_119 : i32 to vector<16xi32>
      %broadcast_in_dim3A_908 = vector.broadcast %while3A_120 : i32 to vector<16xi32>
      %select_n3A_909 = arith.select %gt3A_906, %broadcast_in_dim3A_907, %broadcast_in_dim3A_908 : vector<16xi1>, vector<16xi32>
      %add3A_910 = arith.addi %add3A_884, %select_n3A_909 : vector<16xi32>
      %gt3A_911 = arith.cmpf ogt, %gather3A_905, %get3A_8 : vector<16xf32>
      %broadcast_in_dim3A_912 = vector.broadcast %while3A_119 : i32 to vector<16xi32>
      %broadcast_in_dim3A_913 = vector.broadcast %while3A_120 : i32 to vector<16xi32>
      %select_n3A_914 = arith.select %gt3A_911, %broadcast_in_dim3A_912, %broadcast_in_dim3A_913 : vector<16xi1>, vector<16xi32>
      %add3A_915 = arith.addi %add3A_889, %select_n3A_914 : vector<16xi32>
      %broadcast_in_dim3A_916 = vector.shape_cast %and3A_61 : vector<16xi32> to vector<16x1xi32>
      %gather3A_917 = vector.shape_cast %broadcast_in_dim3A_916 : vector<16x1xi32> to vector<16xi32>
      %gather3A_918 = tpu.dynamic_gather %get3A_811[%gather3A_917] in [0] : vector<16xf32>, vector<16xi32> -> vector<16xf32>
      %gt3A_919 = arith.cmpf ogt, %gather3A_918, %get3A_4 : vector<16xf32>
      %broadcast_in_dim3A_920 = vector.broadcast %while3A_119 : i32 to vector<16xi32>
      %broadcast_in_dim3A_921 = vector.broadcast %while3A_120 : i32 to vector<16xi32>
      %select_n3A_922 = arith.select %gt3A_919, %broadcast_in_dim3A_920, %broadcast_in_dim3A_921 : vector<16xi1>, vector<16xi32>
      %add3A_923 = arith.addi %add3A_897, %select_n3A_922 : vector<16xi32>
      %gt3A_924 = arith.cmpf ogt, %gather3A_918, %get3A_8 : vector<16xf32>
      %broadcast_in_dim3A_925 = vector.broadcast %while3A_119 : i32 to vector<16xi32>
      %broadcast_in_dim3A_926 = vector.broadcast %while3A_120 : i32 to vector<16xi32>
      %select_n3A_927 = arith.select %gt3A_924, %broadcast_in_dim3A_925, %broadcast_in_dim3A_926 : vector<16xi1>, vector<16xi32>
      %add3A_928 = arith.addi %add3A_902, %select_n3A_927 : vector<16xi32>
      %broadcast_in_dim3A_929 = vector.shape_cast %and3A_67 : vector<16xi32> to vector<16x1xi32>
      %gather3A_930 = vector.shape_cast %broadcast_in_dim3A_929 : vector<16x1xi32> to vector<16xi32>
      %gather3A_931 = tpu.dynamic_gather %get3A_811[%gather3A_930] in [0] : vector<16xf32>, vector<16xi32> -> vector<16xf32>
      %gt3A_932 = arith.cmpf ogt, %gather3A_931, %get3A_4 : vector<16xf32>
      %broadcast_in_dim3A_933 = vector.broadcast %while3A_119 : i32 to vector<16xi32>
      %broadcast_in_dim3A_934 = vector.broadcast %while3A_120 : i32 to vector<16xi32>
      %select_n3A_935 = arith.select %gt3A_932, %broadcast_in_dim3A_933, %broadcast_in_dim3A_934 : vector<16xi1>, vector<16xi32>
      %add3A_936 = arith.addi %add3A_910, %select_n3A_935 : vector<16xi32>
      %gt3A_937 = arith.cmpf ogt, %gather3A_931, %get3A_8 : vector<16xf32>
      %broadcast_in_dim3A_938 = vector.broadcast %while3A_119 : i32 to vector<16xi32>
      %broadcast_in_dim3A_939 = vector.broadcast %while3A_120 : i32 to vector<16xi32>
      %select_n3A_940 = arith.select %gt3A_937, %broadcast_in_dim3A_938, %broadcast_in_dim3A_939 : vector<16xi1>, vector<16xi32>
      %add3A_941 = arith.addi %add3A_915, %select_n3A_940 : vector<16xi32>
      %broadcast_in_dim3A_942 = vector.shape_cast %and3A_73 : vector<16xi32> to vector<16x1xi32>
      %gather3A_943 = vector.shape_cast %broadcast_in_dim3A_942 : vector<16x1xi32> to vector<16xi32>
      %gather3A_944 = tpu.dynamic_gather %get3A_811[%gather3A_943] in [0] : vector<16xf32>, vector<16xi32> -> vector<16xf32>
      %gt3A_945 = arith.cmpf ogt, %gather3A_944, %get3A_4 : vector<16xf32>
      %broadcast_in_dim3A_946 = vector.broadcast %while3A_119 : i32 to vector<16xi32>
      %broadcast_in_dim3A_947 = vector.broadcast %while3A_120 : i32 to vector<16xi32>
      %select_n3A_948 = arith.select %gt3A_945, %broadcast_in_dim3A_946, %broadcast_in_dim3A_947 : vector<16xi1>, vector<16xi32>
      %add3A_949 = arith.addi %add3A_923, %select_n3A_948 : vector<16xi32>
      %gt3A_950 = arith.cmpf ogt, %gather3A_944, %get3A_8 : vector<16xf32>
      %broadcast_in_dim3A_951 = vector.broadcast %while3A_119 : i32 to vector<16xi32>
      %broadcast_in_dim3A_952 = vector.broadcast %while3A_120 : i32 to vector<16xi32>
      %select_n3A_953 = arith.select %gt3A_950, %broadcast_in_dim3A_951, %broadcast_in_dim3A_952 : vector<16xi1>, vector<16xi32>
      %add3A_954 = arith.addi %add3A_928, %select_n3A_953 : vector<16xi32>
      %broadcast_in_dim3A_955 = vector.shape_cast %and3A_79 : vector<16xi32> to vector<16x1xi32>
      %gather3A_956 = vector.shape_cast %broadcast_in_dim3A_955 : vector<16x1xi32> to vector<16xi32>
      %gather3A_957 = tpu.dynamic_gather %get3A_811[%gather3A_956] in [0] : vector<16xf32>, vector<16xi32> -> vector<16xf32>
      %gt3A_958 = arith.cmpf ogt, %gather3A_957, %get3A_4 : vector<16xf32>
      %broadcast_in_dim3A_959 = vector.broadcast %while3A_119 : i32 to vector<16xi32>
      %broadcast_in_dim3A_960 = vector.broadcast %while3A_120 : i32 to vector<16xi32>
      %select_n3A_961 = arith.select %gt3A_958, %broadcast_in_dim3A_959, %broadcast_in_dim3A_960 : vector<16xi1>, vector<16xi32>
      %add3A_962 = arith.addi %add3A_936, %select_n3A_961 : vector<16xi32>
      %gt3A_963 = arith.cmpf ogt, %gather3A_957, %get3A_8 : vector<16xf32>
      %broadcast_in_dim3A_964 = vector.broadcast %while3A_119 : i32 to vector<16xi32>
      %broadcast_in_dim3A_965 = vector.broadcast %while3A_120 : i32 to vector<16xi32>
      %select_n3A_966 = arith.select %gt3A_963, %broadcast_in_dim3A_964, %broadcast_in_dim3A_965 : vector<16xi1>, vector<16xi32>
      %add3A_967 = arith.addi %add3A_941, %select_n3A_966 : vector<16xi32>
      %broadcast_in_dim3A_968 = vector.shape_cast %and3A_85 : vector<16xi32> to vector<16x1xi32>
      %gather3A_969 = vector.shape_cast %broadcast_in_dim3A_968 : vector<16x1xi32> to vector<16xi32>
      %gather3A_970 = tpu.dynamic_gather %get3A_811[%gather3A_969] in [0] : vector<16xf32>, vector<16xi32> -> vector<16xf32>
      %gt3A_971 = arith.cmpf ogt, %gather3A_970, %get3A_4 : vector<16xf32>
      %broadcast_in_dim3A_972 = vector.broadcast %while3A_119 : i32 to vector<16xi32>
      %broadcast_in_dim3A_973 = vector.broadcast %while3A_120 : i32 to vector<16xi32>
      %select_n3A_974 = arith.select %gt3A_971, %broadcast_in_dim3A_972, %broadcast_in_dim3A_973 : vector<16xi1>, vector<16xi32>
      %add3A_975 = arith.addi %add3A_949, %select_n3A_974 : vector<16xi32>
      %gt3A_976 = arith.cmpf ogt, %gather3A_970, %get3A_8 : vector<16xf32>
      %broadcast_in_dim3A_977 = vector.broadcast %while3A_119 : i32 to vector<16xi32>
      %broadcast_in_dim3A_978 = vector.broadcast %while3A_120 : i32 to vector<16xi32>
      %select_n3A_979 = arith.select %gt3A_976, %broadcast_in_dim3A_977, %broadcast_in_dim3A_978 : vector<16xi1>, vector<16xi32>
      %add3A_980 = arith.addi %add3A_954, %select_n3A_979 : vector<16xi32>
      %broadcast_in_dim3A_981 = vector.shape_cast %and3A_91 : vector<16xi32> to vector<16x1xi32>
      %gather3A_982 = vector.shape_cast %broadcast_in_dim3A_981 : vector<16x1xi32> to vector<16xi32>
      %gather3A_983 = tpu.dynamic_gather %get3A_811[%gather3A_982] in [0] : vector<16xf32>, vector<16xi32> -> vector<16xf32>
      %gt3A_984 = arith.cmpf ogt, %gather3A_983, %get3A_4 : vector<16xf32>
      %broadcast_in_dim3A_985 = vector.broadcast %while3A_119 : i32 to vector<16xi32>
      %broadcast_in_dim3A_986 = vector.broadcast %while3A_120 : i32 to vector<16xi32>
      %select_n3A_987 = arith.select %gt3A_984, %broadcast_in_dim3A_985, %broadcast_in_dim3A_986 : vector<16xi1>, vector<16xi32>
      %add3A_988 = arith.addi %add3A_962, %select_n3A_987 : vector<16xi32>
      %gt3A_989 = arith.cmpf ogt, %gather3A_983, %get3A_8 : vector<16xf32>
      %broadcast_in_dim3A_990 = vector.broadcast %while3A_119 : i32 to vector<16xi32>
      %broadcast_in_dim3A_991 = vector.broadcast %while3A_120 : i32 to vector<16xi32>
      %select_n3A_992 = arith.select %gt3A_989, %broadcast_in_dim3A_990, %broadcast_in_dim3A_991 : vector<16xi1>, vector<16xi32>
      %add3A_993 = arith.addi %add3A_967, %select_n3A_992 : vector<16xi32>
      %broadcast_in_dim3A_994 = vector.shape_cast %and3A_97 : vector<16xi32> to vector<16x1xi32>
      %gather3A_995 = vector.shape_cast %broadcast_in_dim3A_994 : vector<16x1xi32> to vector<16xi32>
      %gather3A_996 = tpu.dynamic_gather %get3A_811[%gather3A_995] in [0] : vector<16xf32>, vector<16xi32> -> vector<16xf32>
      %gt3A_997 = arith.cmpf ogt, %gather3A_996, %get3A_4 : vector<16xf32>
      %broadcast_in_dim3A_998 = vector.broadcast %while3A_119 : i32 to vector<16xi32>
      %broadcast_in_dim3A_999 = vector.broadcast %while3A_120 : i32 to vector<16xi32>
      %select_n3A_1000 = arith.select %gt3A_997, %broadcast_in_dim3A_998, %broadcast_in_dim3A_999 : vector<16xi1>, vector<16xi32>
      %add3A_1001 = arith.addi %add3A_975, %select_n3A_1000 : vector<16xi32>
      %gt3A_1002 = arith.cmpf ogt, %gather3A_996, %get3A_8 : vector<16xf32>
      %broadcast_in_dim3A_1003 = vector.broadcast %while3A_119 : i32 to vector<16xi32>
      %broadcast_in_dim3A_1004 = vector.broadcast %while3A_120 : i32 to vector<16xi32>
      %select_n3A_1005 = arith.select %gt3A_1002, %broadcast_in_dim3A_1003, %broadcast_in_dim3A_1004 : vector<16xi1>, vector<16xi32>
      %add3A_1006 = arith.addi %add3A_980, %select_n3A_1005 : vector<16xi32>
      %broadcast_in_dim3A_1007 = vector.shape_cast %and3A_103 : vector<16xi32> to vector<16x1xi32>
      %gather3A_1008 = vector.shape_cast %broadcast_in_dim3A_1007 : vector<16x1xi32> to vector<16xi32>
      %gather3A_1009 = tpu.dynamic_gather %get3A_811[%gather3A_1008] in [0] : vector<16xf32>, vector<16xi32> -> vector<16xf32>
      %gt3A_1010 = arith.cmpf ogt, %gather3A_1009, %get3A_4 : vector<16xf32>
      %broadcast_in_dim3A_1011 = vector.broadcast %while3A_119 : i32 to vector<16xi32>
      %broadcast_in_dim3A_1012 = vector.broadcast %while3A_120 : i32 to vector<16xi32>
      %select_n3A_1013 = arith.select %gt3A_1010, %broadcast_in_dim3A_1011, %broadcast_in_dim3A_1012 : vector<16xi1>, vector<16xi32>
      %add3A_1014 = arith.addi %add3A_988, %select_n3A_1013 : vector<16xi32>
      %gt3A_1015 = arith.cmpf ogt, %gather3A_1009, %get3A_8 : vector<16xf32>
      %broadcast_in_dim3A_1016 = vector.broadcast %while3A_119 : i32 to vector<16xi32>
      %broadcast_in_dim3A_1017 = vector.broadcast %while3A_120 : i32 to vector<16xi32>
      %select_n3A_1018 = arith.select %gt3A_1015, %broadcast_in_dim3A_1016, %broadcast_in_dim3A_1017 : vector<16xi1>, vector<16xi32>
      %add3A_1019 = arith.addi %add3A_993, %select_n3A_1018 : vector<16xi32>
      %add3A_1020 = arith.addi %while3A_805, %add3A_1001 : vector<16xi32>
      %add3A_1021 = arith.addi %add3A_1020, %add3A_1014 : vector<16xi32>
      %add3A_1022 = arith.addi %while3A_806, %add3A_1006 : vector<16xi32>
      %add3A_1023 = arith.addi %add3A_1022, %add3A_1019 : vector<16xi32>
      scf.yield %add3A_1021, %add3A_1023 : vector<16xi32>, vector<16xi32>
    }
    %broadcast_in_dim3A_132 = vector.shape_cast %and3A_13 : vector<16xi32> to vector<16x1xi32>
    %gather3A = vector.shape_cast %broadcast_in_dim3A_132 : vector<16x1xi32> to vector<16xi32>
    %gather3A_133 = tpu.dynamic_gather %get3A_4[%gather3A] in [0] : vector<16xf32>, vector<16xi32> -> vector<16xf32>
    %broadcast_in_dim3A_134 = vector.shape_cast %and3A_13 : vector<16xi32> to vector<16x1xi32>
    %gather3A_135 = vector.shape_cast %broadcast_in_dim3A_134 : vector<16x1xi32> to vector<16xi32>
    %gather3A_136 = tpu.dynamic_gather %get3A_8[%gather3A_135] in [0] : vector<16xf32>, vector<16xi32> -> vector<16xf32>
    %gt3A = arith.cmpf ogt, %gather3A_136, %get3A_4 : vector<16xf32>
    %jit3A = arith.constant 1 : i32
    %jit3A_137 = arith.constant 0 : i32
    %broadcast_in_dim3A_138 = vector.broadcast %jit3A : i32 to vector<16xi32>
    %broadcast_in_dim3A_139 = vector.broadcast %jit3A_137 : i32 to vector<16xi32>
    %select_n3A = arith.select %gt3A, %broadcast_in_dim3A_138, %broadcast_in_dim3A_139 : vector<16xi1>, vector<16xi32>
    %add3A_140 = arith.addi %broadcast_in_dim3A_104, %select_n3A : vector<16xi32>
    %ge3A = arith.cmpf oge, %gather3A_133, %get3A_8 : vector<16xf32>
    %jit3A_141 = arith.constant 1 : i32
    %jit3A_142 = arith.constant 0 : i32
    %broadcast_in_dim3A_143 = vector.broadcast %jit3A_141 : i32 to vector<16xi32>
    %broadcast_in_dim3A_144 = vector.broadcast %jit3A_142 : i32 to vector<16xi32>
    %select_n3A_145 = arith.select %ge3A, %broadcast_in_dim3A_143, %broadcast_in_dim3A_144 : vector<16xi1>, vector<16xi32>
    %add3A_146 = arith.addi %broadcast_in_dim3A_104, %select_n3A_145 : vector<16xi32>
    %broadcast_in_dim3A_147 = vector.shape_cast %and3A_19 : vector<16xi32> to vector<16x1xi32>
    %gather3A_148 = vector.shape_cast %broadcast_in_dim3A_147 : vector<16x1xi32> to vector<16xi32>
    %gather3A_149 = tpu.dynamic_gather %get3A_4[%gather3A_148] in [0] : vector<16xf32>, vector<16xi32> -> vector<16xf32>
    %broadcast_in_dim3A_150 = vector.shape_cast %and3A_19 : vector<16xi32> to vector<16x1xi32>
    %gather3A_151 = vector.shape_cast %broadcast_in_dim3A_150 : vector<16x1xi32> to vector<16xi32>
    %gather3A_152 = tpu.dynamic_gather %get3A_8[%gather3A_151] in [0] : vector<16xf32>, vector<16xi32> -> vector<16xf32>
    %gt3A_153 = arith.cmpf ogt, %gather3A_149, %get3A_4 : vector<16xf32>
    %eq3A = arith.cmpf oeq, %gather3A_149, %get3A_4 : vector<16xf32>
    %lt3A = arith.cmpi slt, %and3A_19, %iota3A : vector<16xi32>
    %and3A_154 = arith.andi %eq3A, %lt3A : vector<16xi1>
    %or3A = arith.ori %gt3A_153, %and3A_154 : vector<16xi1>
    %gt3A_155 = arith.cmpf ogt, %gather3A_152, %get3A_8 : vector<16xf32>
    %eq3A_156 = arith.cmpf oeq, %gather3A_152, %get3A_8 : vector<16xf32>
    %lt3A_157 = arith.cmpi slt, %and3A_19, %iota3A : vector<16xi32>
    %and3A_158 = arith.andi %eq3A_156, %lt3A_157 : vector<16xi1>
    %or3A_159 = arith.ori %gt3A_155, %and3A_158 : vector<16xi1>
    %jit3A_160 = arith.constant 1 : i32
    %jit3A_161 = arith.constant 0 : i32
    %broadcast_in_dim3A_162 = vector.broadcast %jit3A_160 : i32 to vector<16xi32>
    %broadcast_in_dim3A_163 = vector.broadcast %jit3A_161 : i32 to vector<16xi32>
    %select_n3A_164 = arith.select %or3A, %broadcast_in_dim3A_162, %broadcast_in_dim3A_163 : vector<16xi1>, vector<16xi32>
    %add3A_165 = arith.addi %broadcast_in_dim3A_104, %select_n3A_164 : vector<16xi32>
    %jit3A_166 = arith.constant 1 : i32
    %jit3A_167 = arith.constant 0 : i32
    %broadcast_in_dim3A_168 = vector.broadcast %jit3A_166 : i32 to vector<16xi32>
    %broadcast_in_dim3A_169 = vector.broadcast %jit3A_167 : i32 to vector<16xi32>
    %select_n3A_170 = arith.select %or3A_159, %broadcast_in_dim3A_168, %broadcast_in_dim3A_169 : vector<16xi1>, vector<16xi32>
    %add3A_171 = arith.addi %broadcast_in_dim3A_104, %select_n3A_170 : vector<16xi32>
    %gt3A_172 = arith.cmpf ogt, %gather3A_152, %get3A_4 : vector<16xf32>
    %jit3A_173 = arith.constant 1 : i32
    %jit3A_174 = arith.constant 0 : i32
    %broadcast_in_dim3A_175 = vector.broadcast %jit3A_173 : i32 to vector<16xi32>
    %broadcast_in_dim3A_176 = vector.broadcast %jit3A_174 : i32 to vector<16xi32>
    %select_n3A_177 = arith.select %gt3A_172, %broadcast_in_dim3A_175, %broadcast_in_dim3A_176 : vector<16xi1>, vector<16xi32>
    %add3A_178 = arith.addi %add3A_165, %select_n3A_177 : vector<16xi32>
    %ge3A_179 = arith.cmpf oge, %gather3A_149, %get3A_8 : vector<16xf32>
    %jit3A_180 = arith.constant 1 : i32
    %jit3A_181 = arith.constant 0 : i32
    %broadcast_in_dim3A_182 = vector.broadcast %jit3A_180 : i32 to vector<16xi32>
    %broadcast_in_dim3A_183 = vector.broadcast %jit3A_181 : i32 to vector<16xi32>
    %select_n3A_184 = arith.select %ge3A_179, %broadcast_in_dim3A_182, %broadcast_in_dim3A_183 : vector<16xi1>, vector<16xi32>
    %add3A_185 = arith.addi %add3A_171, %select_n3A_184 : vector<16xi32>
    %broadcast_in_dim3A_186 = vector.shape_cast %and3A_25 : vector<16xi32> to vector<16x1xi32>
    %gather3A_187 = vector.shape_cast %broadcast_in_dim3A_186 : vector<16x1xi32> to vector<16xi32>
    %gather3A_188 = tpu.dynamic_gather %get3A_4[%gather3A_187] in [0] : vector<16xf32>, vector<16xi32> -> vector<16xf32>
    %broadcast_in_dim3A_189 = vector.shape_cast %and3A_25 : vector<16xi32> to vector<16x1xi32>
    %gather3A_190 = vector.shape_cast %broadcast_in_dim3A_189 : vector<16x1xi32> to vector<16xi32>
    %gather3A_191 = tpu.dynamic_gather %get3A_8[%gather3A_190] in [0] : vector<16xf32>, vector<16xi32> -> vector<16xf32>
    %gt3A_192 = arith.cmpf ogt, %gather3A_188, %get3A_4 : vector<16xf32>
    %eq3A_193 = arith.cmpf oeq, %gather3A_188, %get3A_4 : vector<16xf32>
    %lt3A_194 = arith.cmpi slt, %and3A_25, %iota3A : vector<16xi32>
    %and3A_195 = arith.andi %eq3A_193, %lt3A_194 : vector<16xi1>
    %or3A_196 = arith.ori %gt3A_192, %and3A_195 : vector<16xi1>
    %gt3A_197 = arith.cmpf ogt, %gather3A_191, %get3A_8 : vector<16xf32>
    %eq3A_198 = arith.cmpf oeq, %gather3A_191, %get3A_8 : vector<16xf32>
    %lt3A_199 = arith.cmpi slt, %and3A_25, %iota3A : vector<16xi32>
    %and3A_200 = arith.andi %eq3A_198, %lt3A_199 : vector<16xi1>
    %or3A_201 = arith.ori %gt3A_197, %and3A_200 : vector<16xi1>
    %jit3A_202 = arith.constant 1 : i32
    %jit3A_203 = arith.constant 0 : i32
    %broadcast_in_dim3A_204 = vector.broadcast %jit3A_202 : i32 to vector<16xi32>
    %broadcast_in_dim3A_205 = vector.broadcast %jit3A_203 : i32 to vector<16xi32>
    %select_n3A_206 = arith.select %or3A_196, %broadcast_in_dim3A_204, %broadcast_in_dim3A_205 : vector<16xi1>, vector<16xi32>
    %add3A_207 = arith.addi %add3A_140, %select_n3A_206 : vector<16xi32>
    %jit3A_208 = arith.constant 1 : i32
    %jit3A_209 = arith.constant 0 : i32
    %broadcast_in_dim3A_210 = vector.broadcast %jit3A_208 : i32 to vector<16xi32>
    %broadcast_in_dim3A_211 = vector.broadcast %jit3A_209 : i32 to vector<16xi32>
    %select_n3A_212 = arith.select %or3A_201, %broadcast_in_dim3A_210, %broadcast_in_dim3A_211 : vector<16xi1>, vector<16xi32>
    %add3A_213 = arith.addi %add3A_146, %select_n3A_212 : vector<16xi32>
    %gt3A_214 = arith.cmpf ogt, %gather3A_191, %get3A_4 : vector<16xf32>
    %jit3A_215 = arith.constant 1 : i32
    %jit3A_216 = arith.constant 0 : i32
    %broadcast_in_dim3A_217 = vector.broadcast %jit3A_215 : i32 to vector<16xi32>
    %broadcast_in_dim3A_218 = vector.broadcast %jit3A_216 : i32 to vector<16xi32>
    %select_n3A_219 = arith.select %gt3A_214, %broadcast_in_dim3A_217, %broadcast_in_dim3A_218 : vector<16xi1>, vector<16xi32>
    %add3A_220 = arith.addi %add3A_207, %select_n3A_219 : vector<16xi32>
    %ge3A_221 = arith.cmpf oge, %gather3A_188, %get3A_8 : vector<16xf32>
    %jit3A_222 = arith.constant 1 : i32
    %jit3A_223 = arith.constant 0 : i32
    %broadcast_in_dim3A_224 = vector.broadcast %jit3A_222 : i32 to vector<16xi32>
    %broadcast_in_dim3A_225 = vector.broadcast %jit3A_223 : i32 to vector<16xi32>
    %select_n3A_226 = arith.select %ge3A_221, %broadcast_in_dim3A_224, %broadcast_in_dim3A_225 : vector<16xi1>, vector<16xi32>
    %add3A_227 = arith.addi %add3A_213, %select_n3A_226 : vector<16xi32>
    %broadcast_in_dim3A_228 = vector.shape_cast %and3A_31 : vector<16xi32> to vector<16x1xi32>
    %gather3A_229 = vector.shape_cast %broadcast_in_dim3A_228 : vector<16x1xi32> to vector<16xi32>
    %gather3A_230 = tpu.dynamic_gather %get3A_4[%gather3A_229] in [0] : vector<16xf32>, vector<16xi32> -> vector<16xf32>
    %broadcast_in_dim3A_231 = vector.shape_cast %and3A_31 : vector<16xi32> to vector<16x1xi32>
    %gather3A_232 = vector.shape_cast %broadcast_in_dim3A_231 : vector<16x1xi32> to vector<16xi32>
    %gather3A_233 = tpu.dynamic_gather %get3A_8[%gather3A_232] in [0] : vector<16xf32>, vector<16xi32> -> vector<16xf32>
    %gt3A_234 = arith.cmpf ogt, %gather3A_230, %get3A_4 : vector<16xf32>
    %eq3A_235 = arith.cmpf oeq, %gather3A_230, %get3A_4 : vector<16xf32>
    %lt3A_236 = arith.cmpi slt, %and3A_31, %iota3A : vector<16xi32>
    %and3A_237 = arith.andi %eq3A_235, %lt3A_236 : vector<16xi1>
    %or3A_238 = arith.ori %gt3A_234, %and3A_237 : vector<16xi1>
    %gt3A_239 = arith.cmpf ogt, %gather3A_233, %get3A_8 : vector<16xf32>
    %eq3A_240 = arith.cmpf oeq, %gather3A_233, %get3A_8 : vector<16xf32>
    %lt3A_241 = arith.cmpi slt, %and3A_31, %iota3A : vector<16xi32>
    %and3A_242 = arith.andi %eq3A_240, %lt3A_241 : vector<16xi1>
    %or3A_243 = arith.ori %gt3A_239, %and3A_242 : vector<16xi1>
    %jit3A_244 = arith.constant 1 : i32
    %jit3A_245 = arith.constant 0 : i32
    %broadcast_in_dim3A_246 = vector.broadcast %jit3A_244 : i32 to vector<16xi32>
    %broadcast_in_dim3A_247 = vector.broadcast %jit3A_245 : i32 to vector<16xi32>
    %select_n3A_248 = arith.select %or3A_238, %broadcast_in_dim3A_246, %broadcast_in_dim3A_247 : vector<16xi1>, vector<16xi32>
    %add3A_249 = arith.addi %add3A_178, %select_n3A_248 : vector<16xi32>
    %jit3A_250 = arith.constant 1 : i32
    %jit3A_251 = arith.constant 0 : i32
    %broadcast_in_dim3A_252 = vector.broadcast %jit3A_250 : i32 to vector<16xi32>
    %broadcast_in_dim3A_253 = vector.broadcast %jit3A_251 : i32 to vector<16xi32>
    %select_n3A_254 = arith.select %or3A_243, %broadcast_in_dim3A_252, %broadcast_in_dim3A_253 : vector<16xi1>, vector<16xi32>
    %add3A_255 = arith.addi %add3A_185, %select_n3A_254 : vector<16xi32>
    %gt3A_256 = arith.cmpf ogt, %gather3A_233, %get3A_4 : vector<16xf32>
    %jit3A_257 = arith.constant 1 : i32
    %jit3A_258 = arith.constant 0 : i32
    %broadcast_in_dim3A_259 = vector.broadcast %jit3A_257 : i32 to vector<16xi32>
    %broadcast_in_dim3A_260 = vector.broadcast %jit3A_258 : i32 to vector<16xi32>
    %select_n3A_261 = arith.select %gt3A_256, %broadcast_in_dim3A_259, %broadcast_in_dim3A_260 : vector<16xi1>, vector<16xi32>
    %add3A_262 = arith.addi %add3A_249, %select_n3A_261 : vector<16xi32>
    %ge3A_263 = arith.cmpf oge, %gather3A_230, %get3A_8 : vector<16xf32>
    %jit3A_264 = arith.constant 1 : i32
    %jit3A_265 = arith.constant 0 : i32
    %broadcast_in_dim3A_266 = vector.broadcast %jit3A_264 : i32 to vector<16xi32>
    %broadcast_in_dim3A_267 = vector.broadcast %jit3A_265 : i32 to vector<16xi32>
    %select_n3A_268 = arith.select %ge3A_263, %broadcast_in_dim3A_266, %broadcast_in_dim3A_267 : vector<16xi1>, vector<16xi32>
    %add3A_269 = arith.addi %add3A_255, %select_n3A_268 : vector<16xi32>
    %broadcast_in_dim3A_270 = vector.shape_cast %and3A_37 : vector<16xi32> to vector<16x1xi32>
    %gather3A_271 = vector.shape_cast %broadcast_in_dim3A_270 : vector<16x1xi32> to vector<16xi32>
    %gather3A_272 = tpu.dynamic_gather %get3A_4[%gather3A_271] in [0] : vector<16xf32>, vector<16xi32> -> vector<16xf32>
    %broadcast_in_dim3A_273 = vector.shape_cast %and3A_37 : vector<16xi32> to vector<16x1xi32>
    %gather3A_274 = vector.shape_cast %broadcast_in_dim3A_273 : vector<16x1xi32> to vector<16xi32>
    %gather3A_275 = tpu.dynamic_gather %get3A_8[%gather3A_274] in [0] : vector<16xf32>, vector<16xi32> -> vector<16xf32>
    %gt3A_276 = arith.cmpf ogt, %gather3A_272, %get3A_4 : vector<16xf32>
    %eq3A_277 = arith.cmpf oeq, %gather3A_272, %get3A_4 : vector<16xf32>
    %lt3A_278 = arith.cmpi slt, %and3A_37, %iota3A : vector<16xi32>
    %and3A_279 = arith.andi %eq3A_277, %lt3A_278 : vector<16xi1>
    %or3A_280 = arith.ori %gt3A_276, %and3A_279 : vector<16xi1>
    %gt3A_281 = arith.cmpf ogt, %gather3A_275, %get3A_8 : vector<16xf32>
    %eq3A_282 = arith.cmpf oeq, %gather3A_275, %get3A_8 : vector<16xf32>
    %lt3A_283 = arith.cmpi slt, %and3A_37, %iota3A : vector<16xi32>
    %and3A_284 = arith.andi %eq3A_282, %lt3A_283 : vector<16xi1>
    %or3A_285 = arith.ori %gt3A_281, %and3A_284 : vector<16xi1>
    %jit3A_286 = arith.constant 1 : i32
    %jit3A_287 = arith.constant 0 : i32
    %broadcast_in_dim3A_288 = vector.broadcast %jit3A_286 : i32 to vector<16xi32>
    %broadcast_in_dim3A_289 = vector.broadcast %jit3A_287 : i32 to vector<16xi32>
    %select_n3A_290 = arith.select %or3A_280, %broadcast_in_dim3A_288, %broadcast_in_dim3A_289 : vector<16xi1>, vector<16xi32>
    %add3A_291 = arith.addi %add3A_220, %select_n3A_290 : vector<16xi32>
    %jit3A_292 = arith.constant 1 : i32
    %jit3A_293 = arith.constant 0 : i32
    %broadcast_in_dim3A_294 = vector.broadcast %jit3A_292 : i32 to vector<16xi32>
    %broadcast_in_dim3A_295 = vector.broadcast %jit3A_293 : i32 to vector<16xi32>
    %select_n3A_296 = arith.select %or3A_285, %broadcast_in_dim3A_294, %broadcast_in_dim3A_295 : vector<16xi1>, vector<16xi32>
    %add3A_297 = arith.addi %add3A_227, %select_n3A_296 : vector<16xi32>
    %gt3A_298 = arith.cmpf ogt, %gather3A_275, %get3A_4 : vector<16xf32>
    %jit3A_299 = arith.constant 1 : i32
    %jit3A_300 = arith.constant 0 : i32
    %broadcast_in_dim3A_301 = vector.broadcast %jit3A_299 : i32 to vector<16xi32>
    %broadcast_in_dim3A_302 = vector.broadcast %jit3A_300 : i32 to vector<16xi32>
    %select_n3A_303 = arith.select %gt3A_298, %broadcast_in_dim3A_301, %broadcast_in_dim3A_302 : vector<16xi1>, vector<16xi32>
    %add3A_304 = arith.addi %add3A_291, %select_n3A_303 : vector<16xi32>
    %ge3A_305 = arith.cmpf oge, %gather3A_272, %get3A_8 : vector<16xf32>
    %jit3A_306 = arith.constant 1 : i32
    %jit3A_307 = arith.constant 0 : i32
    %broadcast_in_dim3A_308 = vector.broadcast %jit3A_306 : i32 to vector<16xi32>
    %broadcast_in_dim3A_309 = vector.broadcast %jit3A_307 : i32 to vector<16xi32>
    %select_n3A_310 = arith.select %ge3A_305, %broadcast_in_dim3A_308, %broadcast_in_dim3A_309 : vector<16xi1>, vector<16xi32>
    %add3A_311 = arith.addi %add3A_297, %select_n3A_310 : vector<16xi32>
    %broadcast_in_dim3A_312 = vector.shape_cast %and3A_43 : vector<16xi32> to vector<16x1xi32>
    %gather3A_313 = vector.shape_cast %broadcast_in_dim3A_312 : vector<16x1xi32> to vector<16xi32>
    %gather3A_314 = tpu.dynamic_gather %get3A_4[%gather3A_313] in [0] : vector<16xf32>, vector<16xi32> -> vector<16xf32>
    %broadcast_in_dim3A_315 = vector.shape_cast %and3A_43 : vector<16xi32> to vector<16x1xi32>
    %gather3A_316 = vector.shape_cast %broadcast_in_dim3A_315 : vector<16x1xi32> to vector<16xi32>
    %gather3A_317 = tpu.dynamic_gather %get3A_8[%gather3A_316] in [0] : vector<16xf32>, vector<16xi32> -> vector<16xf32>
    %gt3A_318 = arith.cmpf ogt, %gather3A_314, %get3A_4 : vector<16xf32>
    %eq3A_319 = arith.cmpf oeq, %gather3A_314, %get3A_4 : vector<16xf32>
    %lt3A_320 = arith.cmpi slt, %and3A_43, %iota3A : vector<16xi32>
    %and3A_321 = arith.andi %eq3A_319, %lt3A_320 : vector<16xi1>
    %or3A_322 = arith.ori %gt3A_318, %and3A_321 : vector<16xi1>
    %gt3A_323 = arith.cmpf ogt, %gather3A_317, %get3A_8 : vector<16xf32>
    %eq3A_324 = arith.cmpf oeq, %gather3A_317, %get3A_8 : vector<16xf32>
    %lt3A_325 = arith.cmpi slt, %and3A_43, %iota3A : vector<16xi32>
    %and3A_326 = arith.andi %eq3A_324, %lt3A_325 : vector<16xi1>
    %or3A_327 = arith.ori %gt3A_323, %and3A_326 : vector<16xi1>
    %jit3A_328 = arith.constant 1 : i32
    %jit3A_329 = arith.constant 0 : i32
    %broadcast_in_dim3A_330 = vector.broadcast %jit3A_328 : i32 to vector<16xi32>
    %broadcast_in_dim3A_331 = vector.broadcast %jit3A_329 : i32 to vector<16xi32>
    %select_n3A_332 = arith.select %or3A_322, %broadcast_in_dim3A_330, %broadcast_in_dim3A_331 : vector<16xi1>, vector<16xi32>
    %add3A_333 = arith.addi %add3A_262, %select_n3A_332 : vector<16xi32>
    %jit3A_334 = arith.constant 1 : i32
    %jit3A_335 = arith.constant 0 : i32
    %broadcast_in_dim3A_336 = vector.broadcast %jit3A_334 : i32 to vector<16xi32>
    %broadcast_in_dim3A_337 = vector.broadcast %jit3A_335 : i32 to vector<16xi32>
    %select_n3A_338 = arith.select %or3A_327, %broadcast_in_dim3A_336, %broadcast_in_dim3A_337 : vector<16xi1>, vector<16xi32>
    %add3A_339 = arith.addi %add3A_269, %select_n3A_338 : vector<16xi32>
    %gt3A_340 = arith.cmpf ogt, %gather3A_317, %get3A_4 : vector<16xf32>
    %jit3A_341 = arith.constant 1 : i32
    %jit3A_342 = arith.constant 0 : i32
    %broadcast_in_dim3A_343 = vector.broadcast %jit3A_341 : i32 to vector<16xi32>
    %broadcast_in_dim3A_344 = vector.broadcast %jit3A_342 : i32 to vector<16xi32>
    %select_n3A_345 = arith.select %gt3A_340, %broadcast_in_dim3A_343, %broadcast_in_dim3A_344 : vector<16xi1>, vector<16xi32>
    %add3A_346 = arith.addi %add3A_333, %select_n3A_345 : vector<16xi32>
    %ge3A_347 = arith.cmpf oge, %gather3A_314, %get3A_8 : vector<16xf32>
    %jit3A_348 = arith.constant 1 : i32
    %jit3A_349 = arith.constant 0 : i32
    %broadcast_in_dim3A_350 = vector.broadcast %jit3A_348 : i32 to vector<16xi32>
    %broadcast_in_dim3A_351 = vector.broadcast %jit3A_349 : i32 to vector<16xi32>
    %select_n3A_352 = arith.select %ge3A_347, %broadcast_in_dim3A_350, %broadcast_in_dim3A_351 : vector<16xi1>, vector<16xi32>
    %add3A_353 = arith.addi %add3A_339, %select_n3A_352 : vector<16xi32>
    %broadcast_in_dim3A_354 = vector.shape_cast %and3A_49 : vector<16xi32> to vector<16x1xi32>
    %gather3A_355 = vector.shape_cast %broadcast_in_dim3A_354 : vector<16x1xi32> to vector<16xi32>
    %gather3A_356 = tpu.dynamic_gather %get3A_4[%gather3A_355] in [0] : vector<16xf32>, vector<16xi32> -> vector<16xf32>
    %broadcast_in_dim3A_357 = vector.shape_cast %and3A_49 : vector<16xi32> to vector<16x1xi32>
    %gather3A_358 = vector.shape_cast %broadcast_in_dim3A_357 : vector<16x1xi32> to vector<16xi32>
    %gather3A_359 = tpu.dynamic_gather %get3A_8[%gather3A_358] in [0] : vector<16xf32>, vector<16xi32> -> vector<16xf32>
    %gt3A_360 = arith.cmpf ogt, %gather3A_356, %get3A_4 : vector<16xf32>
    %eq3A_361 = arith.cmpf oeq, %gather3A_356, %get3A_4 : vector<16xf32>
    %lt3A_362 = arith.cmpi slt, %and3A_49, %iota3A : vector<16xi32>
    %and3A_363 = arith.andi %eq3A_361, %lt3A_362 : vector<16xi1>
    %or3A_364 = arith.ori %gt3A_360, %and3A_363 : vector<16xi1>
    %gt3A_365 = arith.cmpf ogt, %gather3A_359, %get3A_8 : vector<16xf32>
    %eq3A_366 = arith.cmpf oeq, %gather3A_359, %get3A_8 : vector<16xf32>
    %lt3A_367 = arith.cmpi slt, %and3A_49, %iota3A : vector<16xi32>
    %and3A_368 = arith.andi %eq3A_366, %lt3A_367 : vector<16xi1>
    %or3A_369 = arith.ori %gt3A_365, %and3A_368 : vector<16xi1>
    %jit3A_370 = arith.constant 1 : i32
    %jit3A_371 = arith.constant 0 : i32
    %broadcast_in_dim3A_372 = vector.broadcast %jit3A_370 : i32 to vector<16xi32>
    %broadcast_in_dim3A_373 = vector.broadcast %jit3A_371 : i32 to vector<16xi32>
    %select_n3A_374 = arith.select %or3A_364, %broadcast_in_dim3A_372, %broadcast_in_dim3A_373 : vector<16xi1>, vector<16xi32>
    %add3A_375 = arith.addi %add3A_304, %select_n3A_374 : vector<16xi32>
    %jit3A_376 = arith.constant 1 : i32
    %jit3A_377 = arith.constant 0 : i32
    %broadcast_in_dim3A_378 = vector.broadcast %jit3A_376 : i32 to vector<16xi32>
    %broadcast_in_dim3A_379 = vector.broadcast %jit3A_377 : i32 to vector<16xi32>
    %select_n3A_380 = arith.select %or3A_369, %broadcast_in_dim3A_378, %broadcast_in_dim3A_379 : vector<16xi1>, vector<16xi32>
    %add3A_381 = arith.addi %add3A_311, %select_n3A_380 : vector<16xi32>
    %gt3A_382 = arith.cmpf ogt, %gather3A_359, %get3A_4 : vector<16xf32>
    %jit3A_383 = arith.constant 1 : i32
    %jit3A_384 = arith.constant 0 : i32
    %broadcast_in_dim3A_385 = vector.broadcast %jit3A_383 : i32 to vector<16xi32>
    %broadcast_in_dim3A_386 = vector.broadcast %jit3A_384 : i32 to vector<16xi32>
    %select_n3A_387 = arith.select %gt3A_382, %broadcast_in_dim3A_385, %broadcast_in_dim3A_386 : vector<16xi1>, vector<16xi32>
    %add3A_388 = arith.addi %add3A_375, %select_n3A_387 : vector<16xi32>
    %ge3A_389 = arith.cmpf oge, %gather3A_356, %get3A_8 : vector<16xf32>
    %jit3A_390 = arith.constant 1 : i32
    %jit3A_391 = arith.constant 0 : i32
    %broadcast_in_dim3A_392 = vector.broadcast %jit3A_390 : i32 to vector<16xi32>
    %broadcast_in_dim3A_393 = vector.broadcast %jit3A_391 : i32 to vector<16xi32>
    %select_n3A_394 = arith.select %ge3A_389, %broadcast_in_dim3A_392, %broadcast_in_dim3A_393 : vector<16xi1>, vector<16xi32>
    %add3A_395 = arith.addi %add3A_381, %select_n3A_394 : vector<16xi32>
    %broadcast_in_dim3A_396 = vector.shape_cast %and3A_55 : vector<16xi32> to vector<16x1xi32>
    %gather3A_397 = vector.shape_cast %broadcast_in_dim3A_396 : vector<16x1xi32> to vector<16xi32>
    %gather3A_398 = tpu.dynamic_gather %get3A_4[%gather3A_397] in [0] : vector<16xf32>, vector<16xi32> -> vector<16xf32>
    %broadcast_in_dim3A_399 = vector.shape_cast %and3A_55 : vector<16xi32> to vector<16x1xi32>
    %gather3A_400 = vector.shape_cast %broadcast_in_dim3A_399 : vector<16x1xi32> to vector<16xi32>
    %gather3A_401 = tpu.dynamic_gather %get3A_8[%gather3A_400] in [0] : vector<16xf32>, vector<16xi32> -> vector<16xf32>
    %gt3A_402 = arith.cmpf ogt, %gather3A_398, %get3A_4 : vector<16xf32>
    %eq3A_403 = arith.cmpf oeq, %gather3A_398, %get3A_4 : vector<16xf32>
    %lt3A_404 = arith.cmpi slt, %and3A_55, %iota3A : vector<16xi32>
    %and3A_405 = arith.andi %eq3A_403, %lt3A_404 : vector<16xi1>
    %or3A_406 = arith.ori %gt3A_402, %and3A_405 : vector<16xi1>
    %gt3A_407 = arith.cmpf ogt, %gather3A_401, %get3A_8 : vector<16xf32>
    %eq3A_408 = arith.cmpf oeq, %gather3A_401, %get3A_8 : vector<16xf32>
    %lt3A_409 = arith.cmpi slt, %and3A_55, %iota3A : vector<16xi32>
    %and3A_410 = arith.andi %eq3A_408, %lt3A_409 : vector<16xi1>
    %or3A_411 = arith.ori %gt3A_407, %and3A_410 : vector<16xi1>
    %jit3A_412 = arith.constant 1 : i32
    %jit3A_413 = arith.constant 0 : i32
    %broadcast_in_dim3A_414 = vector.broadcast %jit3A_412 : i32 to vector<16xi32>
    %broadcast_in_dim3A_415 = vector.broadcast %jit3A_413 : i32 to vector<16xi32>
    %select_n3A_416 = arith.select %or3A_406, %broadcast_in_dim3A_414, %broadcast_in_dim3A_415 : vector<16xi1>, vector<16xi32>
    %add3A_417 = arith.addi %add3A_346, %select_n3A_416 : vector<16xi32>
    %jit3A_418 = arith.constant 1 : i32
    %jit3A_419 = arith.constant 0 : i32
    %broadcast_in_dim3A_420 = vector.broadcast %jit3A_418 : i32 to vector<16xi32>
    %broadcast_in_dim3A_421 = vector.broadcast %jit3A_419 : i32 to vector<16xi32>
    %select_n3A_422 = arith.select %or3A_411, %broadcast_in_dim3A_420, %broadcast_in_dim3A_421 : vector<16xi1>, vector<16xi32>
    %add3A_423 = arith.addi %add3A_353, %select_n3A_422 : vector<16xi32>
    %gt3A_424 = arith.cmpf ogt, %gather3A_401, %get3A_4 : vector<16xf32>
    %jit3A_425 = arith.constant 1 : i32
    %jit3A_426 = arith.constant 0 : i32
    %broadcast_in_dim3A_427 = vector.broadcast %jit3A_425 : i32 to vector<16xi32>
    %broadcast_in_dim3A_428 = vector.broadcast %jit3A_426 : i32 to vector<16xi32>
    %select_n3A_429 = arith.select %gt3A_424, %broadcast_in_dim3A_427, %broadcast_in_dim3A_428 : vector<16xi1>, vector<16xi32>
    %add3A_430 = arith.addi %add3A_417, %select_n3A_429 : vector<16xi32>
    %ge3A_431 = arith.cmpf oge, %gather3A_398, %get3A_8 : vector<16xf32>
    %jit3A_432 = arith.constant 1 : i32
    %jit3A_433 = arith.constant 0 : i32
    %broadcast_in_dim3A_434 = vector.broadcast %jit3A_432 : i32 to vector<16xi32>
    %broadcast_in_dim3A_435 = vector.broadcast %jit3A_433 : i32 to vector<16xi32>
    %select_n3A_436 = arith.select %ge3A_431, %broadcast_in_dim3A_434, %broadcast_in_dim3A_435 : vector<16xi1>, vector<16xi32>
    %add3A_437 = arith.addi %add3A_423, %select_n3A_436 : vector<16xi32>
    %broadcast_in_dim3A_438 = vector.shape_cast %and3A_61 : vector<16xi32> to vector<16x1xi32>
    %gather3A_439 = vector.shape_cast %broadcast_in_dim3A_438 : vector<16x1xi32> to vector<16xi32>
    %gather3A_440 = tpu.dynamic_gather %get3A_4[%gather3A_439] in [0] : vector<16xf32>, vector<16xi32> -> vector<16xf32>
    %broadcast_in_dim3A_441 = vector.shape_cast %and3A_61 : vector<16xi32> to vector<16x1xi32>
    %gather3A_442 = vector.shape_cast %broadcast_in_dim3A_441 : vector<16x1xi32> to vector<16xi32>
    %gather3A_443 = tpu.dynamic_gather %get3A_8[%gather3A_442] in [0] : vector<16xf32>, vector<16xi32> -> vector<16xf32>
    %gt3A_444 = arith.cmpf ogt, %gather3A_440, %get3A_4 : vector<16xf32>
    %eq3A_445 = arith.cmpf oeq, %gather3A_440, %get3A_4 : vector<16xf32>
    %lt3A_446 = arith.cmpi slt, %and3A_61, %iota3A : vector<16xi32>
    %and3A_447 = arith.andi %eq3A_445, %lt3A_446 : vector<16xi1>
    %or3A_448 = arith.ori %gt3A_444, %and3A_447 : vector<16xi1>
    %gt3A_449 = arith.cmpf ogt, %gather3A_443, %get3A_8 : vector<16xf32>
    %eq3A_450 = arith.cmpf oeq, %gather3A_443, %get3A_8 : vector<16xf32>
    %lt3A_451 = arith.cmpi slt, %and3A_61, %iota3A : vector<16xi32>
    %and3A_452 = arith.andi %eq3A_450, %lt3A_451 : vector<16xi1>
    %or3A_453 = arith.ori %gt3A_449, %and3A_452 : vector<16xi1>
    %jit3A_454 = arith.constant 1 : i32
    %jit3A_455 = arith.constant 0 : i32
    %broadcast_in_dim3A_456 = vector.broadcast %jit3A_454 : i32 to vector<16xi32>
    %broadcast_in_dim3A_457 = vector.broadcast %jit3A_455 : i32 to vector<16xi32>
    %select_n3A_458 = arith.select %or3A_448, %broadcast_in_dim3A_456, %broadcast_in_dim3A_457 : vector<16xi1>, vector<16xi32>
    %add3A_459 = arith.addi %add3A_388, %select_n3A_458 : vector<16xi32>
    %jit3A_460 = arith.constant 1 : i32
    %jit3A_461 = arith.constant 0 : i32
    %broadcast_in_dim3A_462 = vector.broadcast %jit3A_460 : i32 to vector<16xi32>
    %broadcast_in_dim3A_463 = vector.broadcast %jit3A_461 : i32 to vector<16xi32>
    %select_n3A_464 = arith.select %or3A_453, %broadcast_in_dim3A_462, %broadcast_in_dim3A_463 : vector<16xi1>, vector<16xi32>
    %add3A_465 = arith.addi %add3A_395, %select_n3A_464 : vector<16xi32>
    %gt3A_466 = arith.cmpf ogt, %gather3A_443, %get3A_4 : vector<16xf32>
    %jit3A_467 = arith.constant 1 : i32
    %jit3A_468 = arith.constant 0 : i32
    %broadcast_in_dim3A_469 = vector.broadcast %jit3A_467 : i32 to vector<16xi32>
    %broadcast_in_dim3A_470 = vector.broadcast %jit3A_468 : i32 to vector<16xi32>
    %select_n3A_471 = arith.select %gt3A_466, %broadcast_in_dim3A_469, %broadcast_in_dim3A_470 : vector<16xi1>, vector<16xi32>
    %add3A_472 = arith.addi %add3A_459, %select_n3A_471 : vector<16xi32>
    %ge3A_473 = arith.cmpf oge, %gather3A_440, %get3A_8 : vector<16xf32>
    %jit3A_474 = arith.constant 1 : i32
    %jit3A_475 = arith.constant 0 : i32
    %broadcast_in_dim3A_476 = vector.broadcast %jit3A_474 : i32 to vector<16xi32>
    %broadcast_in_dim3A_477 = vector.broadcast %jit3A_475 : i32 to vector<16xi32>
    %select_n3A_478 = arith.select %ge3A_473, %broadcast_in_dim3A_476, %broadcast_in_dim3A_477 : vector<16xi1>, vector<16xi32>
    %add3A_479 = arith.addi %add3A_465, %select_n3A_478 : vector<16xi32>
    %broadcast_in_dim3A_480 = vector.shape_cast %and3A_67 : vector<16xi32> to vector<16x1xi32>
    %gather3A_481 = vector.shape_cast %broadcast_in_dim3A_480 : vector<16x1xi32> to vector<16xi32>
    %gather3A_482 = tpu.dynamic_gather %get3A_4[%gather3A_481] in [0] : vector<16xf32>, vector<16xi32> -> vector<16xf32>
    %broadcast_in_dim3A_483 = vector.shape_cast %and3A_67 : vector<16xi32> to vector<16x1xi32>
    %gather3A_484 = vector.shape_cast %broadcast_in_dim3A_483 : vector<16x1xi32> to vector<16xi32>
    %gather3A_485 = tpu.dynamic_gather %get3A_8[%gather3A_484] in [0] : vector<16xf32>, vector<16xi32> -> vector<16xf32>
    %gt3A_486 = arith.cmpf ogt, %gather3A_482, %get3A_4 : vector<16xf32>
    %eq3A_487 = arith.cmpf oeq, %gather3A_482, %get3A_4 : vector<16xf32>
    %lt3A_488 = arith.cmpi slt, %and3A_67, %iota3A : vector<16xi32>
    %and3A_489 = arith.andi %eq3A_487, %lt3A_488 : vector<16xi1>
    %or3A_490 = arith.ori %gt3A_486, %and3A_489 : vector<16xi1>
    %gt3A_491 = arith.cmpf ogt, %gather3A_485, %get3A_8 : vector<16xf32>
    %eq3A_492 = arith.cmpf oeq, %gather3A_485, %get3A_8 : vector<16xf32>
    %lt3A_493 = arith.cmpi slt, %and3A_67, %iota3A : vector<16xi32>
    %and3A_494 = arith.andi %eq3A_492, %lt3A_493 : vector<16xi1>
    %or3A_495 = arith.ori %gt3A_491, %and3A_494 : vector<16xi1>
    %jit3A_496 = arith.constant 1 : i32
    %jit3A_497 = arith.constant 0 : i32
    %broadcast_in_dim3A_498 = vector.broadcast %jit3A_496 : i32 to vector<16xi32>
    %broadcast_in_dim3A_499 = vector.broadcast %jit3A_497 : i32 to vector<16xi32>
    %select_n3A_500 = arith.select %or3A_490, %broadcast_in_dim3A_498, %broadcast_in_dim3A_499 : vector<16xi1>, vector<16xi32>
    %add3A_501 = arith.addi %add3A_430, %select_n3A_500 : vector<16xi32>
    %jit3A_502 = arith.constant 1 : i32
    %jit3A_503 = arith.constant 0 : i32
    %broadcast_in_dim3A_504 = vector.broadcast %jit3A_502 : i32 to vector<16xi32>
    %broadcast_in_dim3A_505 = vector.broadcast %jit3A_503 : i32 to vector<16xi32>
    %select_n3A_506 = arith.select %or3A_495, %broadcast_in_dim3A_504, %broadcast_in_dim3A_505 : vector<16xi1>, vector<16xi32>
    %add3A_507 = arith.addi %add3A_437, %select_n3A_506 : vector<16xi32>
    %gt3A_508 = arith.cmpf ogt, %gather3A_485, %get3A_4 : vector<16xf32>
    %jit3A_509 = arith.constant 1 : i32
    %jit3A_510 = arith.constant 0 : i32
    %broadcast_in_dim3A_511 = vector.broadcast %jit3A_509 : i32 to vector<16xi32>
    %broadcast_in_dim3A_512 = vector.broadcast %jit3A_510 : i32 to vector<16xi32>
    %select_n3A_513 = arith.select %gt3A_508, %broadcast_in_dim3A_511, %broadcast_in_dim3A_512 : vector<16xi1>, vector<16xi32>
    %add3A_514 = arith.addi %add3A_501, %select_n3A_513 : vector<16xi32>
    %ge3A_515 = arith.cmpf oge, %gather3A_482, %get3A_8 : vector<16xf32>
    %jit3A_516 = arith.constant 1 : i32
    %jit3A_517 = arith.constant 0 : i32
    %broadcast_in_dim3A_518 = vector.broadcast %jit3A_516 : i32 to vector<16xi32>
    %broadcast_in_dim3A_519 = vector.broadcast %jit3A_517 : i32 to vector<16xi32>
    %select_n3A_520 = arith.select %ge3A_515, %broadcast_in_dim3A_518, %broadcast_in_dim3A_519 : vector<16xi1>, vector<16xi32>
    %add3A_521 = arith.addi %add3A_507, %select_n3A_520 : vector<16xi32>
    %broadcast_in_dim3A_522 = vector.shape_cast %and3A_73 : vector<16xi32> to vector<16x1xi32>
    %gather3A_523 = vector.shape_cast %broadcast_in_dim3A_522 : vector<16x1xi32> to vector<16xi32>
    %gather3A_524 = tpu.dynamic_gather %get3A_4[%gather3A_523] in [0] : vector<16xf32>, vector<16xi32> -> vector<16xf32>
    %broadcast_in_dim3A_525 = vector.shape_cast %and3A_73 : vector<16xi32> to vector<16x1xi32>
    %gather3A_526 = vector.shape_cast %broadcast_in_dim3A_525 : vector<16x1xi32> to vector<16xi32>
    %gather3A_527 = tpu.dynamic_gather %get3A_8[%gather3A_526] in [0] : vector<16xf32>, vector<16xi32> -> vector<16xf32>
    %gt3A_528 = arith.cmpf ogt, %gather3A_524, %get3A_4 : vector<16xf32>
    %eq3A_529 = arith.cmpf oeq, %gather3A_524, %get3A_4 : vector<16xf32>
    %lt3A_530 = arith.cmpi slt, %and3A_73, %iota3A : vector<16xi32>
    %and3A_531 = arith.andi %eq3A_529, %lt3A_530 : vector<16xi1>
    %or3A_532 = arith.ori %gt3A_528, %and3A_531 : vector<16xi1>
    %gt3A_533 = arith.cmpf ogt, %gather3A_527, %get3A_8 : vector<16xf32>
    %eq3A_534 = arith.cmpf oeq, %gather3A_527, %get3A_8 : vector<16xf32>
    %lt3A_535 = arith.cmpi slt, %and3A_73, %iota3A : vector<16xi32>
    %and3A_536 = arith.andi %eq3A_534, %lt3A_535 : vector<16xi1>
    %or3A_537 = arith.ori %gt3A_533, %and3A_536 : vector<16xi1>
    %jit3A_538 = arith.constant 1 : i32
    %jit3A_539 = arith.constant 0 : i32
    %broadcast_in_dim3A_540 = vector.broadcast %jit3A_538 : i32 to vector<16xi32>
    %broadcast_in_dim3A_541 = vector.broadcast %jit3A_539 : i32 to vector<16xi32>
    %select_n3A_542 = arith.select %or3A_532, %broadcast_in_dim3A_540, %broadcast_in_dim3A_541 : vector<16xi1>, vector<16xi32>
    %add3A_543 = arith.addi %add3A_472, %select_n3A_542 : vector<16xi32>
    %jit3A_544 = arith.constant 1 : i32
    %jit3A_545 = arith.constant 0 : i32
    %broadcast_in_dim3A_546 = vector.broadcast %jit3A_544 : i32 to vector<16xi32>
    %broadcast_in_dim3A_547 = vector.broadcast %jit3A_545 : i32 to vector<16xi32>
    %select_n3A_548 = arith.select %or3A_537, %broadcast_in_dim3A_546, %broadcast_in_dim3A_547 : vector<16xi1>, vector<16xi32>
    %add3A_549 = arith.addi %add3A_479, %select_n3A_548 : vector<16xi32>
    %gt3A_550 = arith.cmpf ogt, %gather3A_527, %get3A_4 : vector<16xf32>
    %jit3A_551 = arith.constant 1 : i32
    %jit3A_552 = arith.constant 0 : i32
    %broadcast_in_dim3A_553 = vector.broadcast %jit3A_551 : i32 to vector<16xi32>
    %broadcast_in_dim3A_554 = vector.broadcast %jit3A_552 : i32 to vector<16xi32>
    %select_n3A_555 = arith.select %gt3A_550, %broadcast_in_dim3A_553, %broadcast_in_dim3A_554 : vector<16xi1>, vector<16xi32>
    %add3A_556 = arith.addi %add3A_543, %select_n3A_555 : vector<16xi32>
    %ge3A_557 = arith.cmpf oge, %gather3A_524, %get3A_8 : vector<16xf32>
    %jit3A_558 = arith.constant 1 : i32
    %jit3A_559 = arith.constant 0 : i32
    %broadcast_in_dim3A_560 = vector.broadcast %jit3A_558 : i32 to vector<16xi32>
    %broadcast_in_dim3A_561 = vector.broadcast %jit3A_559 : i32 to vector<16xi32>
    %select_n3A_562 = arith.select %ge3A_557, %broadcast_in_dim3A_560, %broadcast_in_dim3A_561 : vector<16xi1>, vector<16xi32>
    %add3A_563 = arith.addi %add3A_549, %select_n3A_562 : vector<16xi32>
    %broadcast_in_dim3A_564 = vector.shape_cast %and3A_79 : vector<16xi32> to vector<16x1xi32>
    %gather3A_565 = vector.shape_cast %broadcast_in_dim3A_564 : vector<16x1xi32> to vector<16xi32>
    %gather3A_566 = tpu.dynamic_gather %get3A_4[%gather3A_565] in [0] : vector<16xf32>, vector<16xi32> -> vector<16xf32>
    %broadcast_in_dim3A_567 = vector.shape_cast %and3A_79 : vector<16xi32> to vector<16x1xi32>
    %gather3A_568 = vector.shape_cast %broadcast_in_dim3A_567 : vector<16x1xi32> to vector<16xi32>
    %gather3A_569 = tpu.dynamic_gather %get3A_8[%gather3A_568] in [0] : vector<16xf32>, vector<16xi32> -> vector<16xf32>
    %gt3A_570 = arith.cmpf ogt, %gather3A_566, %get3A_4 : vector<16xf32>
    %eq3A_571 = arith.cmpf oeq, %gather3A_566, %get3A_4 : vector<16xf32>
    %lt3A_572 = arith.cmpi slt, %and3A_79, %iota3A : vector<16xi32>
    %and3A_573 = arith.andi %eq3A_571, %lt3A_572 : vector<16xi1>
    %or3A_574 = arith.ori %gt3A_570, %and3A_573 : vector<16xi1>
    %gt3A_575 = arith.cmpf ogt, %gather3A_569, %get3A_8 : vector<16xf32>
    %eq3A_576 = arith.cmpf oeq, %gather3A_569, %get3A_8 : vector<16xf32>
    %lt3A_577 = arith.cmpi slt, %and3A_79, %iota3A : vector<16xi32>
    %and3A_578 = arith.andi %eq3A_576, %lt3A_577 : vector<16xi1>
    %or3A_579 = arith.ori %gt3A_575, %and3A_578 : vector<16xi1>
    %jit3A_580 = arith.constant 1 : i32
    %jit3A_581 = arith.constant 0 : i32
    %broadcast_in_dim3A_582 = vector.broadcast %jit3A_580 : i32 to vector<16xi32>
    %broadcast_in_dim3A_583 = vector.broadcast %jit3A_581 : i32 to vector<16xi32>
    %select_n3A_584 = arith.select %or3A_574, %broadcast_in_dim3A_582, %broadcast_in_dim3A_583 : vector<16xi1>, vector<16xi32>
    %add3A_585 = arith.addi %add3A_514, %select_n3A_584 : vector<16xi32>
    %jit3A_586 = arith.constant 1 : i32
    %jit3A_587 = arith.constant 0 : i32
    %broadcast_in_dim3A_588 = vector.broadcast %jit3A_586 : i32 to vector<16xi32>
    %broadcast_in_dim3A_589 = vector.broadcast %jit3A_587 : i32 to vector<16xi32>
    %select_n3A_590 = arith.select %or3A_579, %broadcast_in_dim3A_588, %broadcast_in_dim3A_589 : vector<16xi1>, vector<16xi32>
    %add3A_591 = arith.addi %add3A_521, %select_n3A_590 : vector<16xi32>
    %gt3A_592 = arith.cmpf ogt, %gather3A_569, %get3A_4 : vector<16xf32>
    %jit3A_593 = arith.constant 1 : i32
    %jit3A_594 = arith.constant 0 : i32
    %broadcast_in_dim3A_595 = vector.broadcast %jit3A_593 : i32 to vector<16xi32>
    %broadcast_in_dim3A_596 = vector.broadcast %jit3A_594 : i32 to vector<16xi32>
    %select_n3A_597 = arith.select %gt3A_592, %broadcast_in_dim3A_595, %broadcast_in_dim3A_596 : vector<16xi1>, vector<16xi32>
    %add3A_598 = arith.addi %add3A_585, %select_n3A_597 : vector<16xi32>
    %ge3A_599 = arith.cmpf oge, %gather3A_566, %get3A_8 : vector<16xf32>
    %jit3A_600 = arith.constant 1 : i32
    %jit3A_601 = arith.constant 0 : i32
    %broadcast_in_dim3A_602 = vector.broadcast %jit3A_600 : i32 to vector<16xi32>
    %broadcast_in_dim3A_603 = vector.broadcast %jit3A_601 : i32 to vector<16xi32>
    %select_n3A_604 = arith.select %ge3A_599, %broadcast_in_dim3A_602, %broadcast_in_dim3A_603 : vector<16xi1>, vector<16xi32>
    %add3A_605 = arith.addi %add3A_591, %select_n3A_604 : vector<16xi32>
    %broadcast_in_dim3A_606 = vector.shape_cast %and3A_85 : vector<16xi32> to vector<16x1xi32>
    %gather3A_607 = vector.shape_cast %broadcast_in_dim3A_606 : vector<16x1xi32> to vector<16xi32>
    %gather3A_608 = tpu.dynamic_gather %get3A_4[%gather3A_607] in [0] : vector<16xf32>, vector<16xi32> -> vector<16xf32>
    %broadcast_in_dim3A_609 = vector.shape_cast %and3A_85 : vector<16xi32> to vector<16x1xi32>
    %gather3A_610 = vector.shape_cast %broadcast_in_dim3A_609 : vector<16x1xi32> to vector<16xi32>
    %gather3A_611 = tpu.dynamic_gather %get3A_8[%gather3A_610] in [0] : vector<16xf32>, vector<16xi32> -> vector<16xf32>
    %gt3A_612 = arith.cmpf ogt, %gather3A_608, %get3A_4 : vector<16xf32>
    %eq3A_613 = arith.cmpf oeq, %gather3A_608, %get3A_4 : vector<16xf32>
    %lt3A_614 = arith.cmpi slt, %and3A_85, %iota3A : vector<16xi32>
    %and3A_615 = arith.andi %eq3A_613, %lt3A_614 : vector<16xi1>
    %or3A_616 = arith.ori %gt3A_612, %and3A_615 : vector<16xi1>
    %gt3A_617 = arith.cmpf ogt, %gather3A_611, %get3A_8 : vector<16xf32>
    %eq3A_618 = arith.cmpf oeq, %gather3A_611, %get3A_8 : vector<16xf32>
    %lt3A_619 = arith.cmpi slt, %and3A_85, %iota3A : vector<16xi32>
    %and3A_620 = arith.andi %eq3A_618, %lt3A_619 : vector<16xi1>
    %or3A_621 = arith.ori %gt3A_617, %and3A_620 : vector<16xi1>
    %jit3A_622 = arith.constant 1 : i32
    %jit3A_623 = arith.constant 0 : i32
    %broadcast_in_dim3A_624 = vector.broadcast %jit3A_622 : i32 to vector<16xi32>
    %broadcast_in_dim3A_625 = vector.broadcast %jit3A_623 : i32 to vector<16xi32>
    %select_n3A_626 = arith.select %or3A_616, %broadcast_in_dim3A_624, %broadcast_in_dim3A_625 : vector<16xi1>, vector<16xi32>
    %add3A_627 = arith.addi %add3A_556, %select_n3A_626 : vector<16xi32>
    %jit3A_628 = arith.constant 1 : i32
    %jit3A_629 = arith.constant 0 : i32
    %broadcast_in_dim3A_630 = vector.broadcast %jit3A_628 : i32 to vector<16xi32>
    %broadcast_in_dim3A_631 = vector.broadcast %jit3A_629 : i32 to vector<16xi32>
    %select_n3A_632 = arith.select %or3A_621, %broadcast_in_dim3A_630, %broadcast_in_dim3A_631 : vector<16xi1>, vector<16xi32>
    %add3A_633 = arith.addi %add3A_563, %select_n3A_632 : vector<16xi32>
    %gt3A_634 = arith.cmpf ogt, %gather3A_611, %get3A_4 : vector<16xf32>
    %jit3A_635 = arith.constant 1 : i32
    %jit3A_636 = arith.constant 0 : i32
    %broadcast_in_dim3A_637 = vector.broadcast %jit3A_635 : i32 to vector<16xi32>
    %broadcast_in_dim3A_638 = vector.broadcast %jit3A_636 : i32 to vector<16xi32>
    %select_n3A_639 = arith.select %gt3A_634, %broadcast_in_dim3A_637, %broadcast_in_dim3A_638 : vector<16xi1>, vector<16xi32>
    %add3A_640 = arith.addi %add3A_627, %select_n3A_639 : vector<16xi32>
    %ge3A_641 = arith.cmpf oge, %gather3A_608, %get3A_8 : vector<16xf32>
    %jit3A_642 = arith.constant 1 : i32
    %jit3A_643 = arith.constant 0 : i32
    %broadcast_in_dim3A_644 = vector.broadcast %jit3A_642 : i32 to vector<16xi32>
    %broadcast_in_dim3A_645 = vector.broadcast %jit3A_643 : i32 to vector<16xi32>
    %select_n3A_646 = arith.select %ge3A_641, %broadcast_in_dim3A_644, %broadcast_in_dim3A_645 : vector<16xi1>, vector<16xi32>
    %add3A_647 = arith.addi %add3A_633, %select_n3A_646 : vector<16xi32>
    %broadcast_in_dim3A_648 = vector.shape_cast %and3A_91 : vector<16xi32> to vector<16x1xi32>
    %gather3A_649 = vector.shape_cast %broadcast_in_dim3A_648 : vector<16x1xi32> to vector<16xi32>
    %gather3A_650 = tpu.dynamic_gather %get3A_4[%gather3A_649] in [0] : vector<16xf32>, vector<16xi32> -> vector<16xf32>
    %broadcast_in_dim3A_651 = vector.shape_cast %and3A_91 : vector<16xi32> to vector<16x1xi32>
    %gather3A_652 = vector.shape_cast %broadcast_in_dim3A_651 : vector<16x1xi32> to vector<16xi32>
    %gather3A_653 = tpu.dynamic_gather %get3A_8[%gather3A_652] in [0] : vector<16xf32>, vector<16xi32> -> vector<16xf32>
    %gt3A_654 = arith.cmpf ogt, %gather3A_650, %get3A_4 : vector<16xf32>
    %eq3A_655 = arith.cmpf oeq, %gather3A_650, %get3A_4 : vector<16xf32>
    %lt3A_656 = arith.cmpi slt, %and3A_91, %iota3A : vector<16xi32>
    %and3A_657 = arith.andi %eq3A_655, %lt3A_656 : vector<16xi1>
    %or3A_658 = arith.ori %gt3A_654, %and3A_657 : vector<16xi1>
    %gt3A_659 = arith.cmpf ogt, %gather3A_653, %get3A_8 : vector<16xf32>
    %eq3A_660 = arith.cmpf oeq, %gather3A_653, %get3A_8 : vector<16xf32>
    %lt3A_661 = arith.cmpi slt, %and3A_91, %iota3A : vector<16xi32>
    %and3A_662 = arith.andi %eq3A_660, %lt3A_661 : vector<16xi1>
    %or3A_663 = arith.ori %gt3A_659, %and3A_662 : vector<16xi1>
    %jit3A_664 = arith.constant 1 : i32
    %jit3A_665 = arith.constant 0 : i32
    %broadcast_in_dim3A_666 = vector.broadcast %jit3A_664 : i32 to vector<16xi32>
    %broadcast_in_dim3A_667 = vector.broadcast %jit3A_665 : i32 to vector<16xi32>
    %select_n3A_668 = arith.select %or3A_658, %broadcast_in_dim3A_666, %broadcast_in_dim3A_667 : vector<16xi1>, vector<16xi32>
    %add3A_669 = arith.addi %add3A_598, %select_n3A_668 : vector<16xi32>
    %jit3A_670 = arith.constant 1 : i32
    %jit3A_671 = arith.constant 0 : i32
    %broadcast_in_dim3A_672 = vector.broadcast %jit3A_670 : i32 to vector<16xi32>
    %broadcast_in_dim3A_673 = vector.broadcast %jit3A_671 : i32 to vector<16xi32>
    %select_n3A_674 = arith.select %or3A_663, %broadcast_in_dim3A_672, %broadcast_in_dim3A_673 : vector<16xi1>, vector<16xi32>
    %add3A_675 = arith.addi %add3A_605, %select_n3A_674 : vector<16xi32>
    %gt3A_676 = arith.cmpf ogt, %gather3A_653, %get3A_4 : vector<16xf32>
    %jit3A_677 = arith.constant 1 : i32
    %jit3A_678 = arith.constant 0 : i32
    %broadcast_in_dim3A_679 = vector.broadcast %jit3A_677 : i32 to vector<16xi32>
    %broadcast_in_dim3A_680 = vector.broadcast %jit3A_678 : i32 to vector<16xi32>
    %select_n3A_681 = arith.select %gt3A_676, %broadcast_in_dim3A_679, %broadcast_in_dim3A_680 : vector<16xi1>, vector<16xi32>
    %add3A_682 = arith.addi %add3A_669, %select_n3A_681 : vector<16xi32>
    %ge3A_683 = arith.cmpf oge, %gather3A_650, %get3A_8 : vector<16xf32>
    %jit3A_684 = arith.constant 1 : i32
    %jit3A_685 = arith.constant 0 : i32
    %broadcast_in_dim3A_686 = vector.broadcast %jit3A_684 : i32 to vector<16xi32>
    %broadcast_in_dim3A_687 = vector.broadcast %jit3A_685 : i32 to vector<16xi32>
    %select_n3A_688 = arith.select %ge3A_683, %broadcast_in_dim3A_686, %broadcast_in_dim3A_687 : vector<16xi1>, vector<16xi32>
    %add3A_689 = arith.addi %add3A_675, %select_n3A_688 : vector<16xi32>
    %broadcast_in_dim3A_690 = vector.shape_cast %and3A_97 : vector<16xi32> to vector<16x1xi32>
    %gather3A_691 = vector.shape_cast %broadcast_in_dim3A_690 : vector<16x1xi32> to vector<16xi32>
    %gather3A_692 = tpu.dynamic_gather %get3A_4[%gather3A_691] in [0] : vector<16xf32>, vector<16xi32> -> vector<16xf32>
    %broadcast_in_dim3A_693 = vector.shape_cast %and3A_97 : vector<16xi32> to vector<16x1xi32>
    %gather3A_694 = vector.shape_cast %broadcast_in_dim3A_693 : vector<16x1xi32> to vector<16xi32>
    %gather3A_695 = tpu.dynamic_gather %get3A_8[%gather3A_694] in [0] : vector<16xf32>, vector<16xi32> -> vector<16xf32>
    %gt3A_696 = arith.cmpf ogt, %gather3A_692, %get3A_4 : vector<16xf32>
    %eq3A_697 = arith.cmpf oeq, %gather3A_692, %get3A_4 : vector<16xf32>
    %lt3A_698 = arith.cmpi slt, %and3A_97, %iota3A : vector<16xi32>
    %and3A_699 = arith.andi %eq3A_697, %lt3A_698 : vector<16xi1>
    %or3A_700 = arith.ori %gt3A_696, %and3A_699 : vector<16xi1>
    %gt3A_701 = arith.cmpf ogt, %gather3A_695, %get3A_8 : vector<16xf32>
    %eq3A_702 = arith.cmpf oeq, %gather3A_695, %get3A_8 : vector<16xf32>
    %lt3A_703 = arith.cmpi slt, %and3A_97, %iota3A : vector<16xi32>
    %and3A_704 = arith.andi %eq3A_702, %lt3A_703 : vector<16xi1>
    %or3A_705 = arith.ori %gt3A_701, %and3A_704 : vector<16xi1>
    %jit3A_706 = arith.constant 1 : i32
    %jit3A_707 = arith.constant 0 : i32
    %broadcast_in_dim3A_708 = vector.broadcast %jit3A_706 : i32 to vector<16xi32>
    %broadcast_in_dim3A_709 = vector.broadcast %jit3A_707 : i32 to vector<16xi32>
    %select_n3A_710 = arith.select %or3A_700, %broadcast_in_dim3A_708, %broadcast_in_dim3A_709 : vector<16xi1>, vector<16xi32>
    %add3A_711 = arith.addi %add3A_640, %select_n3A_710 : vector<16xi32>
    %jit3A_712 = arith.constant 1 : i32
    %jit3A_713 = arith.constant 0 : i32
    %broadcast_in_dim3A_714 = vector.broadcast %jit3A_712 : i32 to vector<16xi32>
    %broadcast_in_dim3A_715 = vector.broadcast %jit3A_713 : i32 to vector<16xi32>
    %select_n3A_716 = arith.select %or3A_705, %broadcast_in_dim3A_714, %broadcast_in_dim3A_715 : vector<16xi1>, vector<16xi32>
    %add3A_717 = arith.addi %add3A_647, %select_n3A_716 : vector<16xi32>
    %gt3A_718 = arith.cmpf ogt, %gather3A_695, %get3A_4 : vector<16xf32>
    %jit3A_719 = arith.constant 1 : i32
    %jit3A_720 = arith.constant 0 : i32
    %broadcast_in_dim3A_721 = vector.broadcast %jit3A_719 : i32 to vector<16xi32>
    %broadcast_in_dim3A_722 = vector.broadcast %jit3A_720 : i32 to vector<16xi32>
    %select_n3A_723 = arith.select %gt3A_718, %broadcast_in_dim3A_721, %broadcast_in_dim3A_722 : vector<16xi1>, vector<16xi32>
    %add3A_724 = arith.addi %add3A_711, %select_n3A_723 : vector<16xi32>
    %ge3A_725 = arith.cmpf oge, %gather3A_692, %get3A_8 : vector<16xf32>
    %jit3A_726 = arith.constant 1 : i32
    %jit3A_727 = arith.constant 0 : i32
    %broadcast_in_dim3A_728 = vector.broadcast %jit3A_726 : i32 to vector<16xi32>
    %broadcast_in_dim3A_729 = vector.broadcast %jit3A_727 : i32 to vector<16xi32>
    %select_n3A_730 = arith.select %ge3A_725, %broadcast_in_dim3A_728, %broadcast_in_dim3A_729 : vector<16xi1>, vector<16xi32>
    %add3A_731 = arith.addi %add3A_717, %select_n3A_730 : vector<16xi32>
    %broadcast_in_dim3A_732 = vector.shape_cast %and3A_103 : vector<16xi32> to vector<16x1xi32>
    %gather3A_733 = vector.shape_cast %broadcast_in_dim3A_732 : vector<16x1xi32> to vector<16xi32>
    %gather3A_734 = tpu.dynamic_gather %get3A_4[%gather3A_733] in [0] : vector<16xf32>, vector<16xi32> -> vector<16xf32>
    %broadcast_in_dim3A_735 = vector.shape_cast %and3A_103 : vector<16xi32> to vector<16x1xi32>
    %gather3A_736 = vector.shape_cast %broadcast_in_dim3A_735 : vector<16x1xi32> to vector<16xi32>
    %gather3A_737 = tpu.dynamic_gather %get3A_8[%gather3A_736] in [0] : vector<16xf32>, vector<16xi32> -> vector<16xf32>
    %gt3A_738 = arith.cmpf ogt, %gather3A_734, %get3A_4 : vector<16xf32>
    %eq3A_739 = arith.cmpf oeq, %gather3A_734, %get3A_4 : vector<16xf32>
    %lt3A_740 = arith.cmpi slt, %and3A_103, %iota3A : vector<16xi32>
    %and3A_741 = arith.andi %eq3A_739, %lt3A_740 : vector<16xi1>
    %or3A_742 = arith.ori %gt3A_738, %and3A_741 : vector<16xi1>
    %gt3A_743 = arith.cmpf ogt, %gather3A_737, %get3A_8 : vector<16xf32>
    %eq3A_744 = arith.cmpf oeq, %gather3A_737, %get3A_8 : vector<16xf32>
    %lt3A_745 = arith.cmpi slt, %and3A_103, %iota3A : vector<16xi32>
    %and3A_746 = arith.andi %eq3A_744, %lt3A_745 : vector<16xi1>
    %or3A_747 = arith.ori %gt3A_743, %and3A_746 : vector<16xi1>
    %jit3A_748 = arith.constant 1 : i32
    %jit3A_749 = arith.constant 0 : i32
    %broadcast_in_dim3A_750 = vector.broadcast %jit3A_748 : i32 to vector<16xi32>
    %broadcast_in_dim3A_751 = vector.broadcast %jit3A_749 : i32 to vector<16xi32>
    %select_n3A_752 = arith.select %or3A_742, %broadcast_in_dim3A_750, %broadcast_in_dim3A_751 : vector<16xi1>, vector<16xi32>
    %add3A_753 = arith.addi %add3A_682, %select_n3A_752 : vector<16xi32>
    %jit3A_754 = arith.constant 1 : i32
    %jit3A_755 = arith.constant 0 : i32
    %broadcast_in_dim3A_756 = vector.broadcast %jit3A_754 : i32 to vector<16xi32>
    %broadcast_in_dim3A_757 = vector.broadcast %jit3A_755 : i32 to vector<16xi32>
    %select_n3A_758 = arith.select %or3A_747, %broadcast_in_dim3A_756, %broadcast_in_dim3A_757 : vector<16xi1>, vector<16xi32>
    %add3A_759 = arith.addi %add3A_689, %select_n3A_758 : vector<16xi32>
    %gt3A_760 = arith.cmpf ogt, %gather3A_737, %get3A_4 : vector<16xf32>
    %jit3A_761 = arith.constant 1 : i32
    %jit3A_762 = arith.constant 0 : i32
    %broadcast_in_dim3A_763 = vector.broadcast %jit3A_761 : i32 to vector<16xi32>
    %broadcast_in_dim3A_764 = vector.broadcast %jit3A_762 : i32 to vector<16xi32>
    %select_n3A_765 = arith.select %gt3A_760, %broadcast_in_dim3A_763, %broadcast_in_dim3A_764 : vector<16xi1>, vector<16xi32>
    %add3A_766 = arith.addi %add3A_753, %select_n3A_765 : vector<16xi32>
    %ge3A_767 = arith.cmpf oge, %gather3A_734, %get3A_8 : vector<16xf32>
    %jit3A_768 = arith.constant 1 : i32
    %jit3A_769 = arith.constant 0 : i32
    %broadcast_in_dim3A_770 = vector.broadcast %jit3A_768 : i32 to vector<16xi32>
    %broadcast_in_dim3A_771 = vector.broadcast %jit3A_769 : i32 to vector<16xi32>
    %select_n3A_772 = arith.select %ge3A_767, %broadcast_in_dim3A_770, %broadcast_in_dim3A_771 : vector<16xi1>, vector<16xi32>
    %add3A_773 = arith.addi %add3A_759, %select_n3A_772 : vector<16xi32>
    %add3A_774 = arith.addi %while3A_131#0, %add3A_724 : vector<16xi32>
    %add3A_775 = arith.addi %add3A_774, %add3A_766 : vector<16xi32>
    %add3A_776 = arith.addi %while3A_131#1, %add3A_731 : vector<16xi32>
    %add3A_777 = arith.addi %add3A_776, %add3A_773 : vector<16xi32>
    %lt3A_778 = arith.constant 64 : i32
    %lt3A_779 = vector.broadcast %lt3A_778 : i32 to vector<16xi32>
    %lt3A_780 = arith.cmpi slt, %add3A_775, %lt3A_779 : vector<16xi32>
    %jit3A_781 = arith.constant 1.000000e+00 : f32
    %jit3A_782 = arith.constant 0.000000e+00 : f32
    %broadcast_in_dim3A_783 = vector.broadcast %jit3A_781 : f32 to vector<16xf32>
    %broadcast_in_dim3A_784 = vector.broadcast %jit3A_782 : f32 to vector<16xf32>
    %select_n3A_785 = arith.select %lt3A_780, %broadcast_in_dim3A_783, %broadcast_in_dim3A_784 : vector<16xi1>, vector<16xf32>
    %lt3A_786 = arith.constant 64 : i32
    %lt3A_787 = vector.broadcast %lt3A_786 : i32 to vector<16xi32>
    %lt3A_788 = arith.cmpi slt, %add3A_777, %lt3A_787 : vector<16xi32>
    %jit3A_789 = arith.constant 1.000000e+00 : f32
    %jit3A_790 = arith.constant 0.000000e+00 : f32
    %broadcast_in_dim3A_791 = vector.broadcast %jit3A_789 : f32 to vector<16xf32>
    %broadcast_in_dim3A_792 = vector.broadcast %jit3A_790 : f32 to vector<16xf32>
    %select_n3A_793 = arith.select %lt3A_788, %broadcast_in_dim3A_791, %broadcast_in_dim3A_792 : vector<16xi1>, vector<16xf32>
    %add3A_794 = arith.addf %select_n3A_785, %get3A_4 : vector<16xf32>
    %sub3A = arith.subf %add3A_794, %get3A_4 : vector<16xf32>
    %swap3A = arith.constant 0 : index
    %swap3A_795 = tpu.vector_load %arg5[%swap3A] {strides = array<i32>} : memref<32xf32, #tpu.memory_space<vmem>>, vector<16xf32>,
    %swap3A_796 = vector.shape_cast %swap3A_795 : vector<16xf32> to vector<16xf32>
    %swap3A_797 = vector.shape_cast %sub3A : vector<16xf32> to vector<16xf32>
    tpu.vector_store %arg5[%swap3A], %swap3A_797 {strides = array<i32>} : memref<32xf32, #tpu.memory_space<vmem>>, vector<16xf32>,
    %add3A_798 = arith.addf %select_n3A_793, %get3A_8 : vector<16xf32>
    %sub3A_799 = arith.subf %add3A_798, %get3A_8 : vector<16xf32>
    %swap3A_800 = arith.constant 16 : index
    %swap3A_801 = tpu.vector_load %arg5[%swap3A_800] {strides = array<i32>} : memref<32xf32, #tpu.memory_space<vmem>>, vector<16xf32>,
    %swap3A_802 = vector.shape_cast %swap3A_801 : vector<16xf32> to vector<16xf32>
    %swap3A_803 = vector.shape_cast %sub3A_799 : vector<16xf32> to vector<16xf32>
    tpu.vector_store %arg5[%swap3A_800], %swap3A_803 {strides = array<i32>} : memref<32xf32, #tpu.memory_space<vmem>>, vector<16xf32>,
    "tpu.region"() ({
      %run_scoped3A = tpu.sem_alloc : memref<!tpu.dma_semaphore, #tpu.memory_space<semaphore_mem>>
      %dma_start3A = tpu.memref_slice %arg3[%mul3A_0] : memref<512xf32, #tpu.memory_space<hbm>> -> memref<32xf32, #tpu.memory_space<hbm>>
      %dma_start3A_804 = tpu.memref_slice %arg3[%mul3A_0] : memref<512xf32, #tpu.memory_space<hbm>> -> memref<32xf32, #tpu.memory_space<hbm>>
      tpu.enqueue_dma source(%arg5 : memref<32xf32, #tpu.memory_space<vmem>>) target(%dma_start3A_804 : memref<32xf32, #tpu.memory_space<hbm>>) target_semaphore(%run_scoped3A : memref<!tpu.dma_semaphore, #tpu.memory_space<semaphore_mem>>)
      %dma_wait3A = tpu.memref_slice %arg3[%mul3A_0] : memref<512xf32, #tpu.memory_space<hbm>> -> memref<32xf32, #tpu.memory_space<hbm>>
      %dma_wait3A_805 = tpu.memref_slice %arg3[%mul3A_0] : memref<512xf32, #tpu.memory_space<hbm>> -> memref<32xf32, #tpu.memory_space<hbm>>
      tpu.wait_dma2 semaphore(%run_scoped3A : memref<!tpu.dma_semaphore, #tpu.memory_space<semaphore_mem>>) src(%arg5 : memref<32xf32, #tpu.memory_space<vmem>>) dst(%dma_wait3A_805 : memref<32xf32, #tpu.memory_space<hbm>>)
      tpu.yield
    }) : () -> ()
    return
  }
}

</mosaic_0001>

<sc_bundles>
// kernel: kernel.3.cloned.1.call-start
scs
__scs_entry_jumppad:
0x0: {  	(pc) =	sbr.rel $0x88, $3  }
0x1: {  	(tag) =	ssettag $0x0;
	lr =	simm.s32 $0x1  }
0x2: {  	[smem:$0x3FA0] =	sst lr;
	_ =	strace $0xD0000000  }
0x3: {  	_ = 	snop  }
0x4: {  	_ = 	snop  }
0x5: {  	_ = 	snop  }
0x6: {  	_ = 	snop  }
0x7: {  	_ = 	snop  }
__scs_overlays_trampoline_lowered:
0x8: {  	[smem:$0x3FAF] =	sst s0  }
0x9: {  	[smem:$0x3FB0] =	sst s1  }
0xa: {  	[smem:$0x3FB1] =	sst s2  }
0xb: {  	[smem:$0x3FB2] =	sst s3  }
0xc: {  	[smem:$0x3FB3] =	sst s4  }
0xd: {  	[smem:$0x3FB4] =	sst s5  }
0xe: {  	[smem:$0x3FB5] =	sst s6  }
0xf: {  	[smem:$0x3FB6] =	sst s7  }
0x10: {  	[smem:$0x3FB7] =	sst s8  }
0x11: {  	[smem:$0x3FB8] =	sst s9;
	s0 =	simm.s32 @!p0 $0x0  }
0x12: {  	s1 =	sld [smem:$0x3F9E];
	s0 =	simm.s32 @p0 $0x1  }
0x13: {  	[smem:$0x3FB9] =	sst s0;
	s0 =	simm.s32 @!p1 $0x0  }
0x14: {  	s2 =	sld [smem:$0x3F9D];
	s0 =	simm.s32 @p1 $0x1  }
0x15: {  	[smem:$0x3FBA] =	sst s0;
	s0 =	simm.s32 @!p2 $0x0  }
0x16: {  	s3 =	sld [smem:$0x3FDB];
	s0 =	simm.s32 @p2 $0x1  }
0x17: {  	s4 =	simm.s32 $0x1BF5;
	[smem:$0x3FBC] =	sst s0  }
0x18: {  	s0 =	sld [smem:$0x3F9F];
	_ =	swait.ge [sflag:s4], $0x0  }
0x19: {  	s7 =	sld [smem:$0x3FA0]  }
0x1a: {  	s8 =	sadd.s32 $0xFFFFE003, lr  }
0x1b: {  	s9 =	sadd.s32 $0xFFFFFEF7, lr;
	s5 =	simm.s32 $0xFFFFFFFF;
	p2 =	slt.u32 s8, $0xFFFFF086  }
0x1c: {  	p1 =	slt.u32 s9, $0xF7A;
	s5 =	simm.s32 @!p2 $0x0  }
0x1d: {  	s5 =	simm.s32 @p1 $0x1;
	p0 =	seq.s32 s7, s2  }
0x1e: {  	s7 =	smul.u32 @!p0 $0xF7A, s2;
	p2 =	seq.s32 @!p0 s5, $0x0  }
0x1f: {  	s9 =	smul.u32 $0xF7A, s1;
	s8 =	simm.s32 @!p0 $0x1BF5;
	p2 =	por !p2, p0  }
0x20: {  	[sflag:s8] =	ssyncset.s32 @!p0 $0xFFFFF086;
	s6 =	sadd.s32 @!p0 s3, s7;
	s7 =	simm.s32 @!p0 $0x108  }
0x21: {  	s3 =	sadd.s32 s3, s9;
	s6 =	sadd.s32 @!p0 $0x88, s6;
	s7 =	simm.s32 @p2 $0x1082  }
0x22: {  	[simem:s7], [sflag:s8] =	dma.local @!p0 [hbm:s6], $0xF7A  }
0x23: {  	s9 =	sor.u32 $0xD0000000, s2;
	s6 =	simm.s32 $0x108;
	_ =	swait.ge @!p0 [sflag:s8], $0x0  }
0x24: {  	s3 =	sadd.s32 $0x88, s3;
	s6 =	simm.s32 @!p1 $0x1082;
	[sflag:s4] =	ssyncset.s32 $0xFFFFF086  }
0x25: {  	[simem:s6], [sflag:s4] =	dma.local [hbm:s3], $0xF7A  }
0x26: {  	[smem:$0x3FA0] =	sst s1;
	(tag) =	ssettag s2;
	_ =	strace s9  }
0x27: {  	s1 =	sld [smem:$0x3FB0]  }
0x28: {  	s2 =	sld [smem:$0x3FB1]  }
0x29: {  	s4 =	sld [smem:$0x3FB3]  }
0x2a: {  	p0 =	seq.s32 s5, $0x0;
	s5 =	sld [smem:$0x3FB4]  }
0x2b: {  	s6 =	sld [smem:$0x3FB5]  }
0x2c: {  	s7 =	sld [smem:$0x3FB6]  }
0x2d: {  	s3 =	simm.s32 $0x108;
	s8 =	sld [smem:$0x3FB7]  }
0x2e: {  	s3 =	simm.s32 @!p0 $0x1082;
	s9 =	sld [smem:$0x3FB8]  }
0x2f: {  	lr =	sadd.s32 s0, s3;
	s0 =	sld [smem:$0x3FAF]  }
0x30: {  	s3 =	sld [smem:$0x3FB2]  }
0x31: {  	[smem:$0x3FBB] =	sst s10  }
0x32: {  	s10 =	sld [smem:$0x3FB9];
	_ =	sdelay $0x3  }
0x33: {  	p0 =	seq.s32 s10, $0x1;
	s10 =	sld [smem:$0x3FBB];
	_ =	sdelay $0x3  }
0x34: {  	[smem:$0x3FBB] =	sst s10  }
0x35: {  	s10 =	sld [smem:$0x3FBA];
	_ =	sdelay $0x3  }
0x36: {  	p1 =	seq.s32 s10, $0x1;
	s10 =	sld [smem:$0x3FBB];
	_ =	sdelay $0x3  }
0x37: {  	[smem:$0x3FBB] =	sst s10  }
0x38: {  	s10 =	sld [smem:$0x3FBC]  }
0x39: {  	_ = 	snop;
	(pc) =	sbr.ind lr, $3  }
0x3a: {  	_ = 	snop  }
0x3b: {  	_ = 	snop  }
0x3c: {  	p2 =	seq.s32 s10, $0x1;
	s10 =	sld [smem:$0x3FBB]  }
0x3d: {  	_ =	shalt  }
0x3e: {  	_ =	shalt  }
0x3f: {  	_ =	shalt  }
0x40: {  	_ =	shalt  }
0x41: {  	_ =	shalt  }
0x42: {  	_ =	shalt  }
0x43: {  	_ =	shalt  }
0x44: {  	_ =	shalt  }
0x45: {  	_ =	shalt  }
0x46: {  	_ =	shalt  }
0x47: {  	_ =	shalt  }
0x48: {  	_ =	shalt  }
0x49: {  	_ =	shalt  }
0x4a: {  	_ =	shalt  }
0x4b: {  	_ =	shalt  }
0x4c: {  	_ =	shalt  }
0x4d: {  	_ =	shalt  }
0x4e: {  	_ =	shalt  }
0x4f: {  	_ =	shalt  }
0x50: {  	_ =	shalt  }
0x51: {  	_ =	shalt  }
0x52: {  	_ =	shalt  }
0x53: {  	_ =	shalt  }
0x54: {  	_ =	shalt  }
0x55: {  	_ =	shalt  }
0x56: {  	_ =	shalt  }
0x57: {  	_ =	shalt  }
0x58: {  	_ =	shalt  }
0x59: {  	_ =	shalt  }
0x5a: {  	_ =	shalt  }
0x5b: {  	_ =	shalt  }
0x5c: {  	_ =	shalt  }
0x5d: {  	_ =	shalt  }
0x5e: {  	_ =	shalt  }
0x5f: {  	_ =	shalt  }
0x60: {  	_ =	shalt  }
0x61: {  	_ =	shalt  }
0x62: {  	_ =	shalt  }
0x63: {  	_ =	shalt  }
0x64: {  	_ =	shalt  }
0x65: {  	_ =	shalt  }
0x66: {  	_ =	shalt  }
0x67: {  	_ =	shalt  }
0x68: {  	_ =	shalt  }
0x69: {  	_ =	shalt  }
0x6a: {  	_ =	shalt  }
0x6b: {  	_ =	shalt  }
0x6c: {  	_ =	shalt  }
0x6d: {  	_ =	shalt  }
0x6e: {  	_ =	shalt  }
0x6f: {  	_ =	shalt  }
0x70: {  	_ =	shalt  }
0x71: {  	_ =	shalt  }
0x72: {  	_ =	shalt  }
0x73: {  	_ =	shalt  }
0x74: {  	_ =	shalt  }
0x75: {  	_ =	shalt  }
0x76: {  	_ =	shalt  }
0x77: {  	_ =	shalt  }
0x78: {  	_ =	shalt  }
0x79: {  	_ =	shalt  }
0x7a: {  	_ =	shalt  }
0x7b: {  	_ =	shalt  }
0x7c: {  	_ =	shalt  }
0x7d: {  	_ =	shalt  }
0x7e: {  	_ =	shalt  }
0x7f: {  	_ =	shalt  }
0x80: {  	_ =	shalt  }
0x81: {  	_ =	shalt  }
0x82: {  	_ =	shalt  }
0x83: {  	_ =	shalt  }
0x84: {  	_ =	shalt  }
0x85: {  	_ =	shalt  }
0x86: {  	_ =	shalt  }
0x87: {  	_ =	shalt  }
.Lfunc_end0:
.L_simem_size_0:
called_computation_lowered:
.L_overlay_start_0:
0x88: {  	s0 =	sld [smem:$0x3FD9]  }
0x89: {  	s1 =	sld [smem:$0x3FFE];
	_ =	sdelay $0x3  }
0x8a: {  	s0 =	sadd.s32 s1, s0  }
0x8b: {  	[smem:$0x3FC7] =	sst s0  }
0x8c: {  	_ = 	snop  }
0x8d: {  	s0 =	sld [smem:$0x3FD0];
	(tm) =	ssettm $0x1  }
0x8e: {  	s16 =	sld [smem:$0x3FFB];
	_ =	sdelay $0x3  }
0x8f: {  	_ =	strace s16  }
0x90: {  	s1 =	sld [smem:$0x3FFC];
	_ =	sdelay $0x3  }
0x91: {  	_ =	strace s1  }
0x92: {  	s1 =	sld [smem:$0x3FFD];
	_ =	sdelay $0x3  }
0x93: {  	_ =	strace s1  }
0x94: {  	_ =	strace $0x8FFFFFFF  }
0x95: {  	s17 =	sld [smem:$0x3FDB];
	_ =	sdelay $0x1  }
0x96: {  	s2 =	simm.s32 $_scs_section_size  }
0x97: {  	s3 =	simm.s32 $_size__tile_overlayer_lowered;
	s4 =	simm.s32 $_tile_overlayer_lowered  }
0x98: {  	s20 =	simm.s32 $0x1BFF;
	s19 =	sshll.u32 s4, $0x1;
	s1 =	sadd.s32 s2, s17  }
0x99: {  	s5 =	simm.s32 $0x0;
	s18 =	sshll.u32 s3, $0x1;
	s3 =	sadd.s32 s19, s1  }
0x9a: {  	[timem:s5], [sflag:s20] =	dma.local [hbm:s3], s18  }
0x9b: {  	_ =	swait.ge [sflag:s20], s18  }
0x9c: {  	s2 =	ssub.s32 $0x0, s18;
	[sflag:s20] =	ssyncset.done $0x0  }
0x9d: {  	[sflag:s20] =	ssyncadd.s32 s2;
	_ =	sdelay $0x1  }
0x9e: {  	s21 =	simm.s32 $0x1B8B  }
0x9f: {  	_ =	swait.ge [sflag:s21], $0x1  }
0xa0: {  	[sflag:s21] =	ssyncset.done $0x0  }
0xa1: {  	s23 =	simm.s32 $0x1B8E;
	s22 =	sld [smem:$0x3FFE];
	[sflag:s21] =	ssyncadd.s32 $0xFFFFFFFF  }
0xa2: {  	s24 =	simm.s32 $execute0_lowered;
	[smem:$0x3FD2] =	sst s23  }
0xa3: {  	s3 =	sshll.u32 s24, $0x1;
	_ =	strace $0x80000046;
	[dreg:$0x1] =	wrdreg $0xFFFFFFFF  }
0xa4: {  	s25 =	simm.s32 $_size_execute0_lowered;
	s1 =	sadd.s32 s1, s3;
	[dreg:$0x0] =	wrdreg $0x0  }
0xa5: {  	s3 =	sshll.u32 s25, $0x1;
	[dreg:$0x2] =	wrdreg s1  }
0xa6: {  	[dreg:$0x3] =	wrdreg s3  }
0xa7: {  	[dreg:$0x4] =	wrdreg $0xC0  }
0xa8: {  	_ =	task [dreg:s5], $0x5FFFF  }
0xa9: {  	[dreg:$0x1] =	wrdreg $0xFFFFFFFF  }
0xaa: {  	[dreg:$0x0] =	wrdreg $0x60  }
0xab: {  	[dreg:$0x2] =	wrdreg s22  }
0xac: {  	[dreg:$0x3] =	wrdreg s0  }
0xad: {  	[dreg:$0x4] =	wrdreg $0x9  }
0xae: {  	_ =	task.clear_ibuf [dreg:s5], $0x5FFFF;
	_ =	strace $0x90000046  }
0xaf: {  	s26 =	simm.s32 $0x9;
	_ =	strace $0x80000048  }
0xb0: {  	_ =	swait.ge [sflag:s26], $0x1  }
0xb1: {  	[sflag:s26] =	ssyncadd.s32 $0xFFFFFFFF  }
0xb2: {  	_ =	strace $0x90000048  }
0xb3: {  	_ =	sfence  }
0xb4: {  	s28 =	sld [smem:$0x0];
	_ =	sdelay $0x1  }
0xb5: {  	s29 =	srdreg.scid  }
0xb6: {  	s30 =	sshll.u32 s29, $0xD;
	s31 =	sshrl.u32 s29, $0x2  }
0xb7: {  	s2 =	sand.u32 $0x4000, s30;
	s1 =	sand.u32 $0x1, s29;
	s0 =	sadd.s32 s31, s28  }
0xb8: {  	s1 =	sor.u32 s2, s1;
	s0 =	sshll.u32 s0, $0x11  }
0xb9: {  	s0 =	sor.u32 s0, s1  }
0xba: {  	s0 =	sadd.s32 $0x8F2B, s0  }
0xbb: {  	[sflag:s0] =	ssyncadd.remote.s32 $0x1  }
0xbc: {  	_ =	sfence.sel $0xFFFF  }
0xbd: {  	[dreg:$0x0] =	wrdreg $0xFFFFFFFF;
	(pc) =	sbr.abs _section_cstart, $3  }
0xbe: {  	[dreg:$0x1] =	wrdreg $0xFFFFFFFF  }
0xbf: {  	_ =	task.clear_ibuf [dreg:s5], $0x2FFFF;
	_ =	strace $0x9FFFFFFF  }
0xc0: {  	(tm) =	ssettm $0x7FFFFFFF  }
0xc1: {  	_ =	shalt  }
tec
execute0_lowered:
.L_overlay_start_1:
0x0: {  	(tag) =	ssettag $0x1  }
0x1: {  	s1 =	rddreg [dreg:$0x0]  }
0x2: {  	s2 =	rddreg [dreg:$0x1];
	s5 =	simm.s32 $0x0  }
0x3: {  	[smem:$0x7FF] =	sst s5  }
0x4: {  	s0 =	rddreg [dreg:$0x2];
	s1 =	sadd.s32 $0x400, s1;
	_ =	strace $0x80000047  }
0x5: {  	[tilespmem:s5], [sflag:$0x1] =	stream.linear.gather [hbm4b:s1+s5], $0x200, $0x38;
	[tilespmem:$0x280] =	vst v63  }
0x6: {  	s1 =	stileid.u32  }
0x7: {  	s3 =	simm.s32 $0x1;
	p0 =	seq.s32 s1, $0x0  }
.Ltmp0:
0x8: {  	_ =	swait.ge [sflag:s3], $0x200;
	(pc) =	sbr.rel @p0 .LBB2_4-.Ltmp0, $4  }
0x9: {  	[sflag:s3] =	ssyncset.done $0x0  }
0xa: {  	s4 =	sshll.u32 s1, $0x5;
	[sflag:s3] =	ssyncadd.s32 $0xFFFFFE00  }
0xb: {  	s6 =	sshll.u32 s1, $0x2;
	v0 =	vld [tilespmem:s4+$0x0]  }
0xc: {  	v2 =	vimm.s32 $0x0;
	v3 =	vimm.s32 $0x0;
	v5 =	vimm.s32 $0x0;
	s2 =	sadd.s32 s2, s6;
	s3 =	sshll.u32 s1, $0x1;
	v1 =	vld [tilespmem:s4+$0x10]  }
0xd: {  	v3 =	vimm.s32 $0xFEDCBA9;
	v4 =	vimm.s32 $0x87654321;
	v5 =	vimm.s32 $0x98765432  }
0xe: {  	v6 =	vimm.s32 $0xA9876543;
	v7 =	vimm.s32 $0x3210FEDC;
	v8 =	vimm.s32 $0xBA987654  }
0xf: {  	v9 =	vimm.s32 $0x6543210F;
	v10 =	vimm.s32 $0xFEDCBA98;
	v21 =	vimm.s32 $0xEDCBA987  }
0x10: {  	v22 =	vimm.s32 $0x76543210;
	v3 =	vunpack.c.l.s4.s8 v3;
	v4 =	vunpack.c.l.s4.s8 v4  }
0x11: {  	v6 =	vunpack.c.l.s4.s8 v6;
	v7 =	vunpack.c.l.s4.s8 v7;
	v10 =	vunpack.c.l.s4.s8 v10  }
0x12: {  	v9 =	vunpack.c.l.s4.s8 v9;
	v21 =	vunpack.c.l.s4.s8 v21;
	v22 =	vunpack.c.l.s4.s8 v22  }
0x13: {  	v11 =	vunpack.c.0.s8.s32 v3;
	v12 =	vunpack.c.0.s8.s32 v4;
	v3 =	vimm.s32 $0x10FEDCBA  }
0x14: {  	v26 =	vld [tilespmem:s5+$0x0];
	v16 =	vunpack.c.0.s8.s32 v6;
	v17 =	vunpack.c.0.s8.s32 v7;
	v6 =	vimm.s32 $0xCBA98765  }
0x15: {  	v10 =	vunpack.c.0.s8.s32 v10;
	v25 =	vunpack.c.0.s8.s32 v9;
	v21 =	vunpack.c.0.s8.s32 v21  }
0x16: {  	v22 =	vunpack.c.0.s8.s32 v22;
	v4 =	vunpack.c.l.s4.s8 v3;
	v3 =	vcombine.low v12, v11  }
0x17: {  	v10 =	vand.u32 $0xF, v10;
	v9 =	vcombine.low v21, v25;
	v11 =	vcombine.low v11, v12  }
0x18: {  	v13 =	vunpack.c.0.s8.s32 v4;
	v4 =	vunpack.c.l.s4.s8 v5;
	v5 =	vimm.s32 $0x210FEDCB  }
0x19: {  	v10 =	vcombine.low v10, v22;
	v5 =	vunpack.c.l.s4.s8 v5;
	v29 =	vperm.xlane v26, v3  }
0x1a: {  	v31 =	vperm.xlane v26, v9;
	v37 =	vperm.xlane v26, v11;
	v14 =	vunpack.c.0.s8.s32 v4  }
0x1b: {  	v4 =	vunpack.c.l.s4.s8 v8;
	v8 =	vunpack.c.l.s4.s8 v6;
	v15 =	vunpack.c.0.s8.s32 v5  }
0x1c: {  	v5 =	vimm.s32 $0x43210FED;
	vm10 =	vge.f32 v29, v0;
	vm12 =	vge.f32 v31, v1  }
0x1d: {  	vm14 =	vge.f32 v29, v1;
	v18 =	vunpack.c.0.s8.s32 v4;
	v7 =	vunpack.c.l.s4.s8 v5  }
0x1e: {  	v4 =	vcombine.low v14, v13;
	v20 =	vunpack.c.0.s8.s32 v8;
	v8 =	vimm.s32 $0xDCBA9876  }
0x1f: {  	v12 =	vcombine.low v13, v14;
	v13 =	vlaneseq.u32;
	v60 =	vsel vm12, $0x1, v2  }
0x20: {  	v5 =	vcombine.low v16, v15;
	v8 =	vunpack.c.l.s4.s8 v8;
	v14 =	vcombine.low v15, v16  }
0x21: {  	v22 =	vperm.xlane v26, v13;
	v6 =	vcombine.low v18, v17;
	v19 =	vunpack.c.0.s8.s32 v7  }
0x22: {  	v7 =	vimm.s32 $0x543210FE;
	v15 =	vcombine.low v17, v18;
	v18 =	vcombine.low v25, v21  }
0x23: {  	v7 =	vunpack.c.l.s4.s8 v7;
	v24 =	vunpack.c.0.s8.s32 v8;
	vm0 =	vge.f32 v22, v0  }
0x24: {  	vm1 =	vge.f32 v22, v1;
	v28 =	vperm.xlane v26, v5;
	v29 =	vperm.xlane v26, v14  }
0x25: {  	v17 =	vcombine.low v19, v20;
	v22 =	vsel vm0, $0x1, v2;
	v25 =	vperm.xlane v26, v15  }
0x26: {  	v63 =	vperm.xlane v26, v18;
	v23 =	vunpack.c.0.s8.s32 v7;
	v7 =	vcombine.low v20, v19  }
0x27: {  	v20 =	vperm.xlane v26, v6;
	v22 =	vadd.s32 v22, v2;
	vm7 =	vge.f32 v28, v0  }
0x28: {  	vm8 =	vge.f32 v28, v1;
	v21 =	vperm.xlane v26, v17;
	vm2 =	vge.f32 v25, v1  }
0x29: {  	vm3 =	vge.f32 v25, v0;
	v33 =	vsel vm8, $0x1, v2;
	v34 =	vsel vm7, $0x1, v2  }
0x2a: {  	vm7 =	vge.f32 v31, v0;
	v31 =	vperm.xlane v26, v12;
	v8 =	vcombine.low v24, v23  }
0x2b: {  	v16 =	vcombine.low v23, v24;
	v23 =	vsel vm1, $0x1, v2;
	v24 =	vperm.xlane v26, v10  }
0x2c: {  	v27 =	vperm.xlane v26, v7;
	vm4 =	vge.f32 v20, v1;
	v61 =	vsel vm7, $0x1, v2  }
0x2d: {  	vm0 =	vge.f32 v21, v1;
	vm1 =	vge.f32 v21, v0;
	v21 =	vperm.xlane v26, v4  }
0x2e: {  	v23 =	vadd.s32 v23, v2;
	v19 =	vperm.xlane v26, v16;
	vm6 =	vge.f32 v24, v1  }
0x2f: {  	v30 =	vperm.xlane v26, v8;
	vm5 =	vge.f32 v27, v1;
	vm13 =	vge.f32 v27, v0  }
0x30: {  	v27 =	vsel vm10, $0x1, v2;
	vm15 =	vge.f32 v24, v0;
	v24 =	vsel vm4, $0x1, v2  }
0x31: {  	vm11 =	vge.f32 v21, v0;
	v32 =	vsel vm6, $0x1, v2;
	vm6 =	vge.f32 v20, v0  }
0x32: {  	v20 =	vsel vm14, $0x1, v2;
	v35 =	vsel vm13, $0x1, v2;
	vm4 =	vge.f32 v21, v1  }
0x33: {  	v21 =	vadd.s32 v27, v22;
	v27 =	vsel vm5, $0x1, v2;
	vm5 =	vge.f32 v31, v0  }
0x34: {  	vm9 =	vge.f32 v30, v0;
	v28 =	vsel vm11, $0x1, v2;
	v23 =	vadd.s32 v20, v23  }
0x35: {  	v36 =	vsel vm6, $0x1, v2;
	vm6 =	vge.f32 v30, v1;
	v20 =	vsel vm15, $0x1, v2  }
0x36: {  	v22 =	vsel vm4, $0x1, v2;
	vm4 =	vge.f32 v31, v1;
	v25 =	vsel vm9, $0x1, v2  }
0x37: {  	v30 =	vsel vm6, $0x1, v2;
	v21 =	vadd.s32 v28, v21;
	v31 =	vsel vm4, $0x1, v2  }
0x38: {  	vm4 =	vge.f32 v37, v0;
	vm6 =	vge.f32 v37, v1;
	v28 =	vadd.s32 v34, v21  }
0x39: {  	v21 =	vadd.s32 v22, v23;
	v22 =	vsel vm4, $0x1, v2;
	vm4 =	vge.f32 v29, v0  }
0x3a: {  	v62 =	vsel vm6, $0x1, v2;
	v23 =	vadd.s32 v33, v21;
	v28 =	vadd.s32 v36, v28  }
0x3b: {  	v21 =	vsel vm5, $0x1, v2;
	v28 =	vadd.s32 v35, v28;
	v23 =	vadd.s32 v24, v23  }
0x3c: {  	p0 =	sne.s32 s3, $0x1;
	v27 =	vadd.s32 v27, v23;
	v23 =	vsel vm4, $0x1, v2;
	vm4 =	vge.f32 v29, v1  }
.Ltmp1:
0x3d: {  	v28 =	vadd.s32 v25, v28;
	v25 =	vsel vm2, $0x1, v2;
	v26 =	vadd.s32 v30, v27;
	(pc) =	sbr.rel @!p0 .LBB2_3-.Ltmp1, $4  }
0x3e: {  	vm2 =	vge.f32 v19, v0;
	v24 =	vsel vm4, $0x1, v2;
	v27 =	vadd.s32 v60, v26  }
0x3f: {  	v29 =	vadd.s32 v61, v28;
	vm4 =	vge.f32 v63, v1;
	v30 =	vadd.s32 v32, v27  }
0x40: {  	v26 =	vsel vm3, $0x1, v2;
	vm3 =	vge.f32 v63, v0;
	v28 =	vadd.s32 v62, v30  }
0x41: {  	s5 =	sadd.s32 $0xFFFFFFFF, s3;
	s6 =	simm.s32 $0x10;
	v27 =	vsel vm1, $0x1, v2;
	vm1 =	vge.f32 v19, v1;
	v28 =	vadd.s32 v31, v28  }
.LBB2_2:
0x42: {  	v19 =	vld [tilespmem:s6+$0x0];
	p0 =	sne.s32 s5, $0x1;
	s5 =	sadd.s32 $0xFFFFFFFF, s5;
	v30 =	vsel vm4, $0x1, v2;
	v20 =	vadd.s32 v20, v29  }
0x43: {  	v29 =	vsel vm3, $0x1, v2;
	v20 =	vadd.s32 v22, v20  }
0x44: {  	v22 =	vsel vm2, $0x1, v2;
	v20 =	vadd.s32 v21, v20;
	v21 =	vadd.s32 v24, v28  }
0x45: {  	v24 =	vsel vm0, $0x1, v2;
	v20 =	vadd.s32 v23, v20;
	v21 =	vadd.s32 v25, v21  }
0x46: {  	v23 =	vsel vm1, $0x1, v2;
	v20 =	vadd.s32 v26, v20;
	v21 =	vadd.s32 v24, v21  }
0x47: {  	v24 =	vperm.xlane v19, v13;
	v28 =	vperm.xlane v19, v16;
	v20 =	vadd.s32 v27, v20  }
0x48: {  	v25 =	vperm.xlane v19, v6;
	v26 =	vperm.xlane v19, v17;
	v20 =	vadd.s32 v22, v20  }
0x49: {  	vm0 =	vge.f32 v24, v0;
	vm1 =	vge.f32 v24, v1;
	v20 =	vadd.s32 v29, v20  }
0x4a: {  	v21 =	vadd.s32 v23, v21;
	v22 =	vsel vm0, $0x1, v2;
	v24 =	vsel vm1, $0x1, v2  }
0x4b: {  	v23 =	vperm.xlane v19, v10;
	v27 =	vperm.xlane v19, v15;
	v22 =	vadd.s32 v22, v20  }
0x4c: {  	v21 =	vadd.s32 v30, v21;
	vm0 =	vge.f32 v26, v1;
	v20 =	vperm.xlane v19, v7  }
0x4d: {  	vm4 =	vge.f32 v25, v1;
	vm7 =	vge.f32 v23, v1;
	vm1 =	vge.f32 v26, v0  }
0x4e: {  	v29 =	vperm.xlane v19, v5;
	vm2 =	vge.f32 v27, v1;
	v26 =	vperm.xlane v19, v4  }
0x4f: {  	v31 =	vperm.xlane v19, v8;
	v30 =	vperm.xlane v19, v3;
	v21 =	vadd.s32 v24, v21  }
0x50: {  	vm3 =	vge.f32 v27, v0;
	v24 =	vperm.xlane v19, v9;
	vm5 =	vge.f32 v20, v1  }
0x51: {  	vm6 =	vge.f32 v31, v0;
	vm8 =	vge.f32 v29, v0;
	vm9 =	vge.f32 v29, v1  }
0x52: {  	vm10 =	vge.f32 v30, v0;
	v27 =	vsel vm6, $0x1, v2;
	vm11 =	vge.f32 v26, v0  }
0x53: {  	v32 =	vsel vm7, $0x1, v2;
	v29 =	vsel vm11, $0x1, v2;
	vm6 =	vge.f32 v24, v1  }
0x54: {  	v33 =	vsel vm9, $0x1, v2;
	vm9 =	vge.f32 v25, v0;
	vm7 =	vge.f32 v20, v0  }
0x55: {  	v25 =	vsel vm10, $0x1, v2;
	vm10 =	vge.f32 v30, v1;
	v30 =	vperm.xlane v19, v14  }
0x56: {  	v34 =	vsel vm8, $0x1, v2;
	v20 =	vsel vm10, $0x1, v2;
	v35 =	vsel vm7, $0x1, v2  }
0x57: {  	vm7 =	vge.f32 v24, v0;
	v24 =	vperm.xlane v19, v12;
	v21 =	vadd.s32 v20, v21  }
0x58: {  	vm8 =	vge.f32 v31, v1;
	v36 =	vsel vm9, $0x1, v2;
	vm9 =	vge.f32 v23, v0  }
0x59: {  	v37 =	vperm.xlane v19, v11;
	v23 =	vsel vm4, $0x1, v2;
	v31 =	vsel vm8, $0x1, v2  }
0x5a: {  	vm4 =	vge.f32 v26, v1;
	v22 =	vadd.s32 v25, v22;
	v20 =	vsel vm9, $0x1, v2  }
0x5b: {  	v25 =	vsel vm4, $0x1, v2;
	v26 =	vsel vm5, $0x1, v2;
	v22 =	vadd.s32 v29, v22  }
0x5c: {  	v29 =	vadd.s32 v34, v22;
	v21 =	vadd.s32 v25, v21;
	vm4 =	vge.f32 v24, v1  }
0x5d: {  	vm5 =	vge.f32 v24, v0;
	v24 =	vadd.s32 v33, v21;
	v34 =	vsel vm4, $0x1, v2  }
0x5e: {  	v33 =	vsel vm6, $0x1, v2;
	vm6 =	vge.f32 v37, v1;
	vm4 =	vge.f32 v37, v0  }
0x5f: {  	v25 =	vadd.s32 v36, v29;
	v21 =	vsel vm5, $0x1, v2;
	v22 =	vsel vm4, $0x1, v2  }
0x60: {  	v25 =	vadd.s32 v35, v25;
	v23 =	vadd.s32 v23, v24;
	vm4 =	vge.f32 v30, v0  }
0x61: {  	v29 =	vsel vm7, $0x1, v2;
	v35 =	vsel vm6, $0x1, v2;
	v26 =	vadd.s32 v26, v23  }
0x62: {  	v23 =	vsel vm4, $0x1, v2;
	vm4 =	vge.f32 v30, v1;
	v30 =	vadd.s32 v27, v25  }
.Ltmp2:
0x63: {  	v19 =	vperm.xlane v19, v18;
	v26 =	vadd.s32 v31, v26;
	v24 =	vsel vm4, $0x1, v2;
	(pc) =	sbr.rel @p0 .LBB2_2-.Ltmp2, $4  }
0x64: {  	v25 =	vsel vm2, $0x1, v2;
	vm2 =	vge.f32 v28, v0;
	v27 =	vadd.s32 v33, v26  }
0x65: {  	v26 =	vsel vm3, $0x1, v2;
	vm3 =	vge.f32 v19, v0;
	v31 =	vadd.s32 v32, v27  }
0x66: {  	v29 =	vadd.s32 v29, v30;
	v27 =	vsel vm1, $0x1, v2;
	v30 =	vadd.s32 v35, v31  }
0x67: {  	s6 =	sadd.s32 $0x10, s6;
	vm4 =	vge.f32 v19, v1;
	vm1 =	vge.f32 v28, v1;
	v28 =	vadd.s32 v34, v30  }
.LBB2_3:
0x68: {  	v3 =	vadd.s32 v20, v29  }
0x69: {  	v3 =	vadd.s32 v22, v3  }
0x6a: {  	v4 =	vsel vm4, $0x1, v2;
	p0 =	seq.s32 s1, $0xF;
	v3 =	vadd.s32 v21, v3  }
.Ltmp3:
0x6b: {  	v5 =	vsel vm2, $0x1, v2;
	v6 =	vadd.s32 v24, v28;
	v3 =	vadd.s32 v23, v3;
	(pc) =	sbr.rel @p0 .LBB2_7-.Ltmp3, $4  }
0x6c: {  	v7 =	vsel vm0, $0x1, v2;
	v6 =	vadd.s32 v25, v6;
	v3 =	vadd.s32 v26, v3  }
0x6d: {  	v8 =	vsel vm1, $0x1, v2;
	v6 =	vadd.s32 v7, v6;
	v3 =	vadd.s32 v27, v3  }
0x6e: {  	v7 =	vsel vm3, $0x1, v2;
	v6 =	vadd.s32 v8, v6;
	v3 =	vadd.s32 v5, v3  }
0x6f: {  	v5 =	vadd.s32 v7, v3;
	v3 =	vadd.s32 v4, v6  }
.LBB2_4:
0x70: {  	v4 =	vimm.s32 $0xFEDCBA9;
	v6 =	vimm.s32 $0x87654321;
	v7 =	vimm.s32 $0x98765432  }
0x71: {  	v8 =	vimm.s32 $0xA9876543;
	v9 =	vimm.s32 $0x3210FEDC;
	v10 =	vimm.s32 $0xBA987654  }
0x72: {  	v11 =	vimm.s32 $0x6543210F;
	v12 =	vimm.s32 $0xFEDCBA98;
	v23 =	vimm.s32 $0xEDCBA987  }
0x73: {  	v24 =	vimm.s32 $0x76543210;
	v4 =	vunpack.c.l.s4.s8 v4;
	v6 =	vunpack.c.l.s4.s8 v6  }
0x74: {  	v8 =	vunpack.c.l.s4.s8 v8;
	v9 =	vunpack.c.l.s4.s8 v9;
	v12 =	vunpack.c.l.s4.s8 v12  }
0x75: {  	v11 =	vunpack.c.l.s4.s8 v11;
	v23 =	vunpack.c.l.s4.s8 v23;
	v24 =	vunpack.c.l.s4.s8 v24  }
0x76: {  	s4 =	sadd.s32 $0x20, s4;
	v13 =	vunpack.c.0.s8.s32 v4;
	v14 =	vunpack.c.0.s8.s32 v6;
	v4 =	vimm.s32 $0x10FEDCBA  }
0x77: {  	v28 =	vld [tilespmem:s4+$0x0];
	v18 =	vunpack.c.0.s8.s32 v8;
	v19 =	vunpack.c.0.s8.s32 v9;
	v8 =	vimm.s32 $0xCBA98765  }
0x78: {  	v12 =	vunpack.c.0.s8.s32 v12;
	v27 =	vunpack.c.0.s8.s32 v11;
	v23 =	vunpack.c.0.s8.s32 v23  }
0x79: {  	v24 =	vunpack.c.0.s8.s32 v24;
	v6 =	vunpack.c.l.s4.s8 v4;
	v4 =	vcombine.low v14, v13  }
0x7a: {  	v12 =	vand.u32 $0xF, v12;
	v11 =	vcombine.low v23, v27;
	v13 =	vcombine.low v13, v14  }
0x7b: {  	v15 =	vunpack.c.0.s8.s32 v6;
	v6 =	vunpack.c.l.s4.s8 v7;
	v7 =	vimm.s32 $0x210FEDCB  }
0x7c: {  	v12 =	vcombine.low v12, v24;
	v7 =	vunpack.c.l.s4.s8 v7;
	v29 =	vperm.xlane v28, v4  }
0x7d: {  	v37 =	vperm.xlane v28, v13;
	v16 =	vunpack.c.0.s8.s32 v6;
	v6 =	vunpack.c.l.s4.s8 v10  }
0x7e: {  	v10 =	vunpack.c.l.s4.s8 v8;
	v17 =	vunpack.c.0.s8.s32 v7;
	v7 =	vimm.s32 $0x43210FED  }
0x7f: {  	vm10 =	vgt.f32 v29, v0;
	vm14 =	vgt.f32 v29, v1;
	v20 =	vunpack.c.0.s8.s32 v6  }
0x80: {  	v9 =	vunpack.c.l.s4.s8 v7;
	v6 =	vcombine.low v16, v15;
	v22 =	vunpack.c.0.s8.s32 v10  }
0x81: {  	v10 =	vimm.s32 $0xDCBA9876;
	v14 =	vcombine.low v15, v16;
	v15 =	vlaneseq.u32  }
0x82: {  	v7 =	vcombine.low v18, v17;
	v10 =	vunpack.c.l.s4.s8 v10;
	v16 =	vcombine.low v17, v18  }
0x83: {  	v24 =	vperm.xlane v28, v15;
	v8 =	vcombine.low v20, v19;
	v21 =	vunpack.c.0.s8.s32 v9  }
0x84: {  	v9 =	vimm.s32 $0x543210FE;
	v17 =	vcombine.low v19, v20;
	v20 =	vcombine.low v27, v23  }
0x85: {  	v9 =	vunpack.c.l.s4.s8 v9;
	v26 =	vunpack.c.0.s8.s32 v10;
	vm0 =	vgt.f32 v24, v0  }
0x86: {  	vm1 =	vgt.f32 v24, v1;
	v27 =	vperm.xlane v28, v7;
	v29 =	vperm.xlane v28, v16  }
0x87: {  	v19 =	vcombine.low v21, v22;
	v23 =	vsel vm0, $0x1, v2;
	v24 =	vsel vm1, $0x1, v2  }
0x88: {  	v25 =	vunpack.c.0.s8.s32 v9;
	v9 =	vcombine.low v22, v21;
	v21 =	vperm.xlane v28, v8  }
0x89: {  	v23 =	vadd.s32 v23, v5;
	v3 =	vadd.s32 v24, v3;
	v24 =	vperm.xlane v28, v11  }
0x8a: {  	vm7 =	vgt.f32 v27, v0;
	vm8 =	vgt.f32 v27, v1;
	v22 =	vperm.xlane v28, v19  }
0x8b: {  	v33 =	vsel vm8, $0x1, v2;
	v10 =	vcombine.low v26, v25;
	v18 =	vcombine.low v25, v26  }
0x8c: {  	v34 =	vsel vm7, $0x1, v2;
	v25 =	vperm.xlane v28, v12;
	v26 =	vperm.xlane v28, v17  }
0x8d: {  	v5 =	vperm.xlane v28, v9;
	vm4 =	vgt.f32 v21, v1;
	vm12 =	vgt.f32 v24, v1  }
0x8e: {  	vm7 =	vgt.f32 v24, v0;
	v24 =	vperm.xlane v28, v14;
	vm0 =	vgt.f32 v22, v1  }
0x8f: {  	vm1 =	vgt.f32 v22, v0;
	v22 =	vperm.xlane v28, v6;
	v61 =	vsel vm12, $0x1, v2  }
0x90: {  	v62 =	vsel vm7, $0x1, v2;
	v30 =	vperm.xlane v28, v18;
	vm6 =	vgt.f32 v25, v1  }
0x91: {  	vm2 =	vgt.f32 v26, v1;
	v31 =	vperm.xlane v28, v10;
	vm5 =	vgt.f32 v5, v1  }
0x92: {  	vm3 =	vgt.f32 v26, v0;
	vm13 =	vgt.f32 v5, v0;
	v5 =	vsel vm14, $0x1, v2  }
0x93: {  	vm15 =	vgt.f32 v25, v0;
	v25 =	vsel vm4, $0x1, v2;
	v28 =	vperm.xlane v28, v20  }
0x94: {  	vm11 =	vgt.f32 v22, v0;
	v32 =	vsel vm6, $0x1, v2;
	vm6 =	vgt.f32 v21, v0  }
0x95: {  	v21 =	vsel vm10, $0x1, v2;
	v35 =	vsel vm13, $0x1, v2;
	v3 =	vadd.s32 v5, v3  }
0x96: {  	vm4 =	vgt.f32 v22, v1;
	v5 =	vsel vm15, $0x1, v2;
	vm9 =	vgt.f32 v31, v0  }
0x97: {  	v27 =	vsel vm11, $0x1, v2;
	v36 =	vsel vm6, $0x1, v2;
	vm6 =	vgt.f32 v31, v1  }
0x98: {  	v21 =	vadd.s32 v21, v23;
	v22 =	vsel vm4, $0x1, v2;
	v23 =	vsel vm5, $0x1, v2  }
0x99: {  	vm4 =	vgt.f32 v24, v1;
	vm5 =	vgt.f32 v24, v0;
	v26 =	vsel vm9, $0x1, v2  }
0x9a: {  	v31 =	vsel vm6, $0x1, v2;
	v21 =	vadd.s32 v27, v21;
	v3 =	vadd.s32 v22, v3  }
0x9b: {  	v60 =	vsel vm4, $0x1, v2;
	vm4 =	vgt.f32 v37, v0;
	vm6 =	vgt.f32 v37, v1  }
0x9c: {  	v27 =	vadd.s32 v34, v21;
	v3 =	vadd.s32 v33, v3;
	v22 =	vsel vm4, $0x1, v2  }
0x9d: {  	s3 =	sadd.s32 $0x1, s3;
	v21 =	vsel vm5, $0x1, v2;
	vm4 =	vgt.f32 v29, v0;
	v63 =	vsel vm6, $0x1, v2  }
0x9e: {  	s3 =	sadd.s32 $0x1, s3;
	v24 =	vadd.s32 v36, v27;
	v3 =	vadd.s32 v25, v3;
	v25 =	vsel vm2, $0x1, v2  }
0x9f: {  	p0 =	slt.u32 s3, $0x1F;
	vm2 =	vgt.f32 v30, v0;
	v27 =	vsel vm1, $0x1, v2;
	v3 =	vadd.s32 v23, v3  }
.Ltmp4:
0xa0: {  	vm1 =	vgt.f32 v30, v1;
	v24 =	vadd.s32 v35, v24;
	v3 =	vadd.s32 v31, v3;
	(pc) =	sbr.rel @!p0 .LBB2_6-.Ltmp4, $4  }
0xa1: {  	v23 =	vsel vm4, $0x1, v2;
	vm4 =	vgt.f32 v29, v1;
	v3 =	vadd.s32 v61, v3  }
0xa2: {  	v29 =	vadd.s32 v26, v24;
	v24 =	vsel vm4, $0x1, v2;
	v3 =	vadd.s32 v32, v3  }
0xa3: {  	v26 =	vsel vm3, $0x1, v2;
	vm3 =	vgt.f32 v28, v0;
	v3 =	vadd.s32 v63, v3  }
0xa4: {  	s4 =	sadd.s32 $0x10, s4;
	vm4 =	vgt.f32 v28, v1;
	v29 =	vadd.s32 v62, v29;
	v28 =	vadd.s32 v60, v3  }
.LBB2_5:
0xa5: {  	v3 =	vld [tilespmem:s4+$0x0];
	s3 =	sadd.s32 $0x1, s3;
	v30 =	vsel vm4, $0x1, v2;
	v5 =	vadd.s32 v5, v29  }
0xa6: {  	v29 =	vsel vm3, $0x1, v2;
	p0 =	slt.u32 s3, $0x1F;
	v5 =	vadd.s32 v22, v5  }
0xa7: {  	v22 =	vsel vm2, $0x1, v2;
	v5 =	vadd.s32 v21, v5;
	v21 =	vadd.s32 v24, v28  }
0xa8: {  	v24 =	vsel vm0, $0x1, v2;
	v5 =	vadd.s32 v23, v5;
	v21 =	vadd.s32 v25, v21  }
0xa9: {  	v23 =	vsel vm1, $0x1, v2;
	v5 =	vadd.s32 v26, v5;
	v21 =	vadd.s32 v24, v21  }
0xaa: {  	v24 =	vperm.xlane v3, v15;
	v28 =	vperm.xlane v3, v18;
	v5 =	vadd.s32 v27, v5  }
0xab: {  	v25 =	vperm.xlane v3, v8;
	v26 =	vperm.xlane v3, v19;
	v5 =	vadd.s32 v22, v5  }
0xac: {  	vm0 =	vgt.f32 v24, v0;
	vm1 =	vgt.f32 v24, v1;
	v5 =	vadd.s32 v29, v5  }
0xad: {  	v21 =	vadd.s32 v23, v21;
	v22 =	vsel vm0, $0x1, v2;
	v24 =	vsel vm1, $0x1, v2  }
0xae: {  	v23 =	vperm.xlane v3, v12;
	v27 =	vperm.xlane v3, v17;
	v22 =	vadd.s32 v22, v5  }
0xaf: {  	v21 =	vadd.s32 v30, v21;
	vm0 =	vgt.f32 v26, v1;
	v5 =	vperm.xlane v3, v9  }
0xb0: {  	vm4 =	vgt.f32 v25, v1;
	vm7 =	vgt.f32 v23, v1;
	vm1 =	vgt.f32 v26, v0  }
0xb1: {  	v29 =	vperm.xlane v3, v7;
	vm2 =	vgt.f32 v27, v1;
	v26 =	vperm.xlane v3, v6  }
0xb2: {  	v31 =	vperm.xlane v3, v10;
	v30 =	vperm.xlane v3, v4;
	v21 =	vadd.s32 v24, v21  }
0xb3: {  	vm3 =	vgt.f32 v27, v0;
	v24 =	vperm.xlane v3, v11;
	vm5 =	vgt.f32 v5, v1  }
0xb4: {  	vm6 =	vgt.f32 v31, v0;
	vm8 =	vgt.f32 v29, v0;
	vm9 =	vgt.f32 v29, v1  }
0xb5: {  	vm10 =	vgt.f32 v30, v0;
	v27 =	vsel vm6, $0x1, v2;
	vm11 =	vgt.f32 v26, v0  }
0xb6: {  	v32 =	vsel vm7, $0x1, v2;
	v29 =	vsel vm11, $0x1, v2;
	vm6 =	vgt.f32 v24, v1  }
0xb7: {  	v33 =	vsel vm9, $0x1, v2;
	vm9 =	vgt.f32 v25, v0;
	vm7 =	vgt.f32 v5, v0  }
0xb8: {  	v25 =	vsel vm10, $0x1, v2;
	vm10 =	vgt.f32 v30, v1;
	v30 =	vperm.xlane v3, v16  }
0xb9: {  	v34 =	vsel vm8, $0x1, v2;
	v5 =	vsel vm10, $0x1, v2;
	v35 =	vsel vm7, $0x1, v2  }
0xba: {  	vm7 =	vgt.f32 v24, v0;
	v24 =	vperm.xlane v3, v14;
	v21 =	vadd.s32 v5, v21  }
0xbb: {  	vm8 =	vgt.f32 v31, v1;
	v36 =	vsel vm9, $0x1, v2;
	vm9 =	vgt.f32 v23, v0  }
0xbc: {  	v37 =	vperm.xlane v3, v13;
	v23 =	vsel vm4, $0x1, v2;
	v31 =	vsel vm8, $0x1, v2  }
0xbd: {  	vm4 =	vgt.f32 v26, v1;
	v22 =	vadd.s32 v25, v22;
	v5 =	vsel vm9, $0x1, v2  }
0xbe: {  	v25 =	vsel vm4, $0x1, v2;
	v26 =	vsel vm5, $0x1, v2;
	v22 =	vadd.s32 v29, v22  }
0xbf: {  	v29 =	vadd.s32 v34, v22;
	v21 =	vadd.s32 v25, v21;
	vm4 =	vgt.f32 v24, v1  }
0xc0: {  	vm5 =	vgt.f32 v24, v0;
	v24 =	vadd.s32 v33, v21;
	v34 =	vsel vm4, $0x1, v2  }
0xc1: {  	v33 =	vsel vm6, $0x1, v2;
	vm6 =	vgt.f32 v37, v1;
	vm4 =	vgt.f32 v37, v0  }
0xc2: {  	v25 =	vadd.s32 v36, v29;
	v21 =	vsel vm5, $0x1, v2;
	v22 =	vsel vm4, $0x1, v2  }
0xc3: {  	v25 =	vadd.s32 v35, v25;
	v23 =	vadd.s32 v23, v24;
	vm4 =	vgt.f32 v30, v0  }
0xc4: {  	v29 =	vsel vm7, $0x1, v2;
	v35 =	vsel vm6, $0x1, v2;
	v26 =	vadd.s32 v26, v23  }
0xc5: {  	v23 =	vsel vm4, $0x1, v2;
	vm4 =	vgt.f32 v30, v1;
	v30 =	vadd.s32 v27, v25  }
.Ltmp5:
0xc6: {  	v3 =	vperm.xlane v3, v20;
	v26 =	vadd.s32 v31, v26;
	v24 =	vsel vm4, $0x1, v2;
	(pc) =	sbr.rel @p0 .LBB2_5-.Ltmp5, $4  }
0xc7: {  	v25 =	vsel vm2, $0x1, v2;
	vm2 =	vgt.f32 v28, v0;
	v27 =	vadd.s32 v33, v26  }
0xc8: {  	v26 =	vsel vm3, $0x1, v2;
	vm3 =	vgt.f32 v3, v0;
	v31 =	vadd.s32 v32, v27  }
0xc9: {  	v29 =	vadd.s32 v29, v30;
	v27 =	vsel vm1, $0x1, v2;
	v30 =	vadd.s32 v35, v31  }
0xca: {  	s4 =	sadd.s32 $0x10, s4;
	vm4 =	vgt.f32 v3, v1;
	vm1 =	vgt.f32 v28, v1;
	v28 =	vadd.s32 v34, v30  }
.LBB2_6:
0xcb: {  	v3 =	vadd.s32 v5, v29  }
0xcc: {  	v3 =	vadd.s32 v22, v3  }
0xcd: {  	v4 =	vsel vm4, $0x1, v2;
	v3 =	vadd.s32 v21, v3  }
0xce: {  	v5 =	vsel vm2, $0x1, v2;
	v6 =	vadd.s32 v24, v28;
	v3 =	vadd.s32 v23, v3  }
0xcf: {  	v7 =	vsel vm0, $0x1, v2;
	v6 =	vadd.s32 v25, v6;
	v3 =	vadd.s32 v26, v3  }
0xd0: {  	v8 =	vsel vm1, $0x1, v2;
	v6 =	vadd.s32 v7, v6;
	v3 =	vadd.s32 v27, v3  }
0xd1: {  	v2 =	vsel vm3, $0x1, v2;
	v6 =	vadd.s32 v8, v6;
	v3 =	vadd.s32 v5, v3  }
0xd2: {  	v5 =	vadd.s32 v2, v3;
	v3 =	vadd.s32 v4, v6  }
.LBB2_7:
0xd3: {  	v2 =	vimm.s32 $0xFEDCBA9;
	v4 =	vimm.s32 $0x87654321;
	v33 =	vlaneseq.u32  }
0xd4: {  	v35 =	vimm.s32 $0x10FEDCBA;
	v36 =	vimm.s32 $0x98765432;
	vm3 =	vcmask $0x3F3C  }
0xd5: {  	v37 =	vimm.s32 $0x210FEDCB;
	v10 =	vimm.s32 $0xA9876543;
	vm14 =	vcmask $0x3F38  }
0xd6: {  	v41 =	vimm.s32 $0x3210FEDC;
	v42 =	vimm.s32 $0xBA987654;
	v44 =	vimm.s32 $0x43210FED  }
0xd7: {  	v13 =	vimm.s32 $0xCBA98765;
	v48 =	vimm.s32 $0x543210FE;
	v49 =	vimm.s32 $0xDCBA9876  }
0xd8: {  	v26 =	vimm.s32 $0x6543210F;
	v2 =	vunpack.c.l.s4.s8 v2;
	v4 =	vunpack.c.l.s4.s8 v4  }
0xd9: {  	v6 =	vperm.xlane v1, v33;
	v7 =	vperm.xlane v0, v33;
	v10 =	vunpack.c.l.s4.s8 v10  }
0xda: {  	v15 =	vunpack.c.l.s4.s8 v44;
	v13 =	vunpack.c.l.s4.s8 v13;
	v44 =	vimm.s32 $0xFEDCBA98  }
0xdb: {  	v21 =	vunpack.c.l.s4.s8 v49;
	v51 =	vunpack.c.l.s4.s8 v26;
	v44 =	vunpack.c.l.s4.s8 v44  }
0xdc: {  	v18 =	vunpack.c.0.s8.s32 v2;
	v19 =	vunpack.c.0.s8.s32 v4;
	vm0 =	vgt.f32 v6, v0  }
0xdd: {  	v2 =	vimm.s32 $0x0;
	vm15 =	vge.f32 v7, v1;
	v6 =	vunpack.c.l.s4.s8 v36  }
0xde: {  	v7 =	vunpack.c.l.s4.s8 v37;
	v32 =	vunpack.c.0.s8.s32 v10;
	v10 =	vunpack.c.l.s4.s8 v42  }
0xdf: {  	v27 =	vunpack.c.0.s8.s32 v15;
	v28 =	vunpack.c.0.s8.s32 v13;
	v13 =	vunpack.c.l.s4.s8 v48  }
0xe0: {  	v21 =	vunpack.c.0.s8.s32 v21;
	v42 =	vimm.s32 $0xEDCBA987;
	v14 =	vsel vm0, $0x1, v2  }
0xe1: {  	v52 =	vunpack.c.l.s4.s8 v42;
	v44 =	vunpack.c.0.s8.s32 v44;
	v4 =	vcombine.low v19, v18  }
0xe2: {  	v31 =	vunpack.c.0.s8.s32 v6;
	v6 =	vsel vm15, $0x1, v2;
	v30 =	vunpack.c.0.s8.s32 v7  }
0xe3: {  	v36 =	vunpack.c.0.s8.s32 v10;
	v45 =	vcombine.low v28, v27;
	v18 =	vcombine.low v18, v19  }
0xe4: {  	v5 =	vadd.s32 v14, v5;
	v27 =	vcombine.low v27, v28;
	v26 =	vunpack.c.0.s8.s32 v52  }
0xe5: {  	v44 =	vand.u32 $0xF, v44;
	v3 =	vadd.s32 v6, v3;
	v4 =	vand.u32 $0xF, v4  }
0xe6: {  	v39 =	vcombine.low v32, v30;
	v46 =	vand.u32 $0xF, v45;
	v45 =	vimm.s32 $0x76543210  }
0xe7: {  	v30 =	vcombine.low v30, v32;
	v27 =	vand.u32 $0xF, v27;
	v8 =	vperm.xlane v0, v4  }
0xe8: {  	v34 =	vperm.xlane v1, v4;
	v4 =	vunpack.c.l.s4.s8 v35;
	v24 =	vperm.xlane v0, v46  }
0xe9: {  	v47 =	vperm.xlane v1, v46;
	v54 =	vunpack.c.l.s4.s8 v45;
	v46 =	vand.u32 $0xF, v18  }
0xea: {  	v58 =	vperm.xlane v1, v46;
	v59 =	vperm.xlane v0, v46;
	v63 =	vand.u32 $0xF, v30  }
0xeb: {  	vm1 =	vgt.f32 v8, v0;
	vm2 =	veq.f32 v8, v0;
	vm4 =	vgt.f32 v34, v1  }
0xec: {  	vm5 =	veq.f32 v34, v1;
	v29 =	vunpack.c.0.s8.s32 v4;
	vm10 =	vgt.f32 v34, v0  }
0xed: {  	vm11 =	vge.f32 v8, v1;
	vm2 =	vmand vm2, vm3;
	vm3 =	vmand vm5, vm3  }
0xee: {  	v22 =	vsel vm10, $0x1, v2;
	v7 =	vsel vm11, $0x1, v2;
	v9 =	vcombine.low v31, v29  }
0xef: {  	vm8 =	vmor vm1, vm2;
	vm9 =	vmor vm4, vm3;
	v29 =	vcombine.low v29, v31  }
0xf0: {  	v5 =	vadd.s32 v22, v5;
	v3 =	vadd.s32 v7, v3;
	v9 =	vand.u32 $0xF, v9  }
0xf1: {  	v16 =	vsel vm8, $0x1, v2;
	v29 =	vand.u32 $0xF, v29;
	v11 =	vperm.xlane v0, v9  }
0xf2: {  	v4 =	vsel vm9, $0x1, v2;
	v38 =	vperm.xlane v1, v9;
	v60 =	vperm.xlane v1, v29  }
0xf3: {  	v9 =	vand.u32 $0xF, v39;
	v62 =	vperm.xlane v0, v29;
	v29 =	vperm.xlane v0, v63  }
0xf4: {  	v5 =	vadd.s32 v16, v5;
	v12 =	vperm.xlane v0, v9;
	v40 =	vperm.xlane v1, v9  }
0xf5: {  	v9 =	vunpack.c.l.s4.s8 v41;
	vm12 =	vgt.f32 v11, v0;
	vm13 =	veq.f32 v11, v0  }
0xf6: {  	vm15 =	veq.f32 v38, v1;
	vm8 =	vgt.f32 v38, v1;
	vm10 =	vgt.f32 v38, v0  }
0xf7: {  	vm11 =	vge.f32 v11, v1;
	vm1 =	vmand vm13, vm14;
	vm2 =	vmand vm15, vm14  }
0xf8: {  	v33 =	vsel vm10, $0x1, v2;
	vm13 =	veq.f32 v12, v0;
	vm14 =	vcmask $0x3F34  }
0xf9: {  	vm15 =	vgt.f32 v40, v1;
	v35 =	vunpack.c.0.s8.s32 v9;
	v10 =	vsel vm11, $0x1, v2  }
0xfa: {  	vm10 =	vgt.f32 v40, v0;
	vm11 =	vge.f32 v12, v1;
	vm0 =	vmor vm12, vm1  }
0xfb: {  	vm9 =	vmor vm8, vm2;
	vm12 =	vgt.f32 v12, v0;
	vm2 =	vmand vm13, vm14  }
0xfc: {  	vm8 =	veq.f32 v40, v1;
	v37 =	vsel vm10, $0x1, v2;
	v12 =	vsel vm11, $0x1, v2  }
0xfd: {  	vm10 =	vcmask $0x3F2C;
	vm11 =	vgt.f32 v24, v0;
	v46 =	vadd.s32 v33, v5  }
0xfe: {  	v3 =	vadd.s32 v10, v3;
	v23 =	vsel vm0, $0x1, v2;
	v8 =	vsel vm9, $0x1, v2  }
0xff: {  	vm1 =	vmor vm12, vm2;
	vm3 =	vmand vm8, vm14;
	v43 =	vcombine.low v36, v35  }
0x100: {  	vm14 =	vcmask $0x3F30;
	v3 =	vadd.s32 v4, v3;
	vm9 =	vmor vm15, vm3  }
0x101: {  	v34 =	vsel vm1, $0x1, v2;
	v48 =	vadd.s32 v23, v46;
	v11 =	vand.u32 $0xF, v43  }
0x102: {  	v3 =	vadd.s32 v12, v3;
	v9 =	vsel vm9, $0x1, v2;
	v17 =	vperm.xlane v0, v11  }
0x103: {  	vm9 =	veq.f32 v24, v0;
	v22 =	vadd.s32 v37, v48;
	v20 =	vperm.xlane v1, v11  }
0x104: {  	v3 =	vadd.s32 v8, v3;
	v22 =	vadd.s32 v34, v22;
	vm12 =	vgt.f32 v17, v0  }
0x105: {  	vm13 =	veq.f32 v17, v0;
	vm15 =	veq.f32 v20, v1;
	vm6 =	vgt.f32 v20, v1  }
0x106: {  	vm7 =	vgt.f32 v20, v0;
	vm8 =	vge.f32 v17, v1;
	v20 =	vunpack.c.0.s8.s32 v13  }
0x107: {  	vm1 =	vmand vm13, vm14;
	vm2 =	vmand vm15, vm14;
	v39 =	vsel vm7, $0x1, v2  }
0x108: {  	v15 =	vsel vm8, $0x1, v2;
	vm13 =	vgt.f32 v47, v1;
	vm14 =	vgt.f32 v47, v0  }
0x109: {  	vm15 =	vge.f32 v24, v1;
	v24 =	vunpack.c.0.s8.s32 v51;
	vm0 =	vmor vm12, vm1  }
0x10a: {  	vm1 =	vmor vm6, vm2;
	vm12 =	veq.f32 v47, v1;
	v25 =	vcombine.low v21, v20  }
0x10b: {  	v41 =	vsel vm14, $0x1, v2;
	v17 =	vsel vm15, $0x1, v2;
	vm6 =	vcmask $0x3F28  }
0x10c: {  	vm14 =	vcmask $0x3F24;
	v47 =	vperm.xlane v1, v63;
	v22 =	vadd.s32 v39, v22  }
0x10d: {  	v63 =	vimm.s32 $0x0;
	v3 =	vadd.s32 v15, v3;
	v38 =	vsel vm0, $0x1, v2  }
0x10e: {  	v11 =	vsel vm1, $0x1, v2;
	vm1 =	vmand vm9, vm10;
	vm2 =	vmand vm12, vm10  }
0x10f: {  	v53 =	vcombine.low v26, v24;
	v3 =	vadd.s32 v9, v3;
	vm0 =	vmor vm11, vm1  }
0x110: {  	vm1 =	vmor vm13, vm2;
	v50 =	vand.u32 $0xF, v25;
	v22 =	vadd.s32 v38, v22  }
0x111: {  	v38 =	vcombine.low v20, v21;
	v3 =	vadd.s32 v17, v3;
	v40 =	vsel vm0, $0x1, v2  }
0x112: {  	v13 =	vsel vm1, $0x1, v2;
	v25 =	vperm.xlane v0, v50;
	v43 =	vperm.xlane v1, v50  }
0x113: {  	v42 =	vand.u32 $0xF, v53;
	v50 =	vcombine.low v35, v36;
	v22 =	vadd.s32 v41, v22  }
0x114: {  	v3 =	vadd.s32 v11, v3;
	v55 =	vperm.xlane v1, v42;
	v42 =	vperm.xlane v0, v42  }
0x115: {  	v22 =	vadd.s32 v40, v22;
	v7 =	vand.u32 $0xF, v38;
	vm4 =	vgt.f32 v25, v0  }
0x116: {  	vm5 =	veq.f32 v25, v0;
	vm7 =	vgt.f32 v43, v1;
	vm8 =	veq.f32 v43, v1  }
0x117: {  	vm9 =	vgt.f32 v43, v0;
	vm10 =	vge.f32 v25, v1;
	v43 =	vunpack.c.0.s8.s32 v54  }
0x118: {  	v30 =	vand.u32 $0xF, v50;
	v40 =	vperm.xlane v1, v7;
	v7 =	vperm.xlane v0, v7  }
0x119: {  	vm1 =	vmand vm5, vm6;
	vm2 =	vmand vm8, vm6;
	vm11 =	vgt.f32 v55, v1  }
0x11a: {  	vm12 =	veq.f32 v55, v1;
	v56 =	vsel vm9, $0x1, v2;
	vm13 =	veq.f32 v42, v0  }
0x11b: {  	vm6 =	vge.f32 v42, v1;
	v19 =	vsel vm10, $0x1, v2;
	v54 =	vperm.xlane v1, v30  }
0x11c: {  	vm0 =	vmor vm4, vm1;
	vm2 =	vmor vm7, vm2;
	vm1 =	vgt.f32 v55, v0  }
0x11d: {  	v43 =	vcombine.low v44, v43;
	vm7 =	vgt.f32 v42, v0;
	vm3 =	vmand vm12, vm14  }
0x11e: {  	vm4 =	vgt.f32 v58, v1;
	v14 =	vsel vm6, $0x1, v2;
	vm6 =	vcmask $0x3F20  }
0x11f: {  	v22 =	vadd.s32 v56, v22;
	v56 =	vperm.xlane v0, v30;
	v3 =	vadd.s32 v19, v3  }
0x120: {  	v45 =	vsel vm0, $0x1, v2;
	v25 =	vsel vm2, $0x1, v2;
	vm2 =	vmand vm13, vm14  }
0x121: {  	vm0 =	vmor vm11, vm3;
	vm11 =	veq.f32 v58, v1;
	vm3 =	vgt.f32 v58, v0  }
0x122: {  	vm13 =	vgt.f32 v59, v0;
	vm14 =	veq.f32 v59, v0;
	v61 =	vsel vm1, $0x1, v2  }
0x123: {  	vm1 =	vgt.f32 v60, v0;
	v58 =	vimm.s32 $0x0;
	v3 =	vadd.s32 v13, v3  }
0x124: {  	v57 =	vperm.xlane v1, v43;
	vm2 =	vmor vm7, vm2;
	v43 =	vperm.xlane v0, v43  }
0x125: {  	v18 =	vsel vm0, $0x1, v2;
	vm0 =	vge.f32 v59, v1;
	vm7 =	veq.f32 v60, v1  }
0x126: {  	v55 =	vsel vm3, $0x1, v2;
	vm3 =	vgt.f32 v54, v1;
	v22 =	vadd.s32 v45, v22  }
0x127: {  	v59 =	vperm.xlane v1, v27;
	v27 =	vperm.xlane v0, v27;
	v3 =	vadd.s32 v14, v3  }
0x128: {  	v42 =	vsel vm2, $0x1, v2;
	vm2 =	vgt.f32 v60, v1;
	v22 =	vadd.s32 v61, v22  }
0x129: {  	v3 =	vadd.s32 v25, v3;
	vm8 =	vgt.f32 v57, v1;
	vm9 =	veq.f32 v57, v1  }
0x12a: {  	vm5 =	vgt.f32 v57, v0;
	vm12 =	vgt.f32 v43, v0;
	vm15 =	veq.f32 v43, v0  }
0x12b: {  	vm10 =	vge.f32 v43, v1;
	v57 =	vsel vm0, $0x1, v2;
	vm0 =	vge.f32 v56, v1  }
0x12c: {  	v22 =	vadd.s32 v42, v22;
	v43 =	vcombine.low v24, v26;
	vm15 =	vmand vm15, vm6  }
0x12d: {  	vm6 =	vmand vm9, vm6;
	vm9 =	vge.f32 v62, v1;
	v49 =	vsel vm5, $0x1, v2  }
0x12e: {  	vm5 =	vgt.f32 v47, v1;
	v51 =	vsel vm10, $0x1, v2;
	vm10 =	vcmask $0x3F1C  }
0x12f: {  	v28 =	vsel vm0, $0xFFFFFFFF, v58;
	vm15 =	vmor vm12, vm15;
	vm6 =	vmor vm8, vm6  }
0x130: {  	vm12 =	vgt.f32 v62, v0;
	vm8 =	vgt.f32 v47, v0;
	vm14 =	vmand vm14, vm10  }
0x131: {  	vm10 =	vmand vm11, vm10;
	vm11 =	vgt.f32 v29, v0;
	v22 =	vadd.s32 v49, v22  }
0x132: {  	v3 =	vadd.s32 v51, v3;
	v16 =	vsel vm15, $0x1, v2;
	vm15 =	veq.f32 v62, v0  }
0x133: {  	v5 =	vsel vm6, $0x1, v2;
	vm6 =	veq.f32 v47, v1;
	vm14 =	vmor vm13, vm14  }
0x134: {  	vm10 =	vmor vm4, vm10;
	vm13 =	veq.f32 v29, v0;
	vm4 =	vge.f32 v29, v1  }
0x135: {  	v62 =	vsel vm1, $0x1, v2;
	v39 =	vsel vm8, $0x1, v2;
	vm1 =	vcmask $0x3F10  }
0x136: {  	vm8 =	vgt.f32 v40, v1;
	v3 =	vadd.s32 v18, v3;
	v52 =	vsel vm14, $0x1, v2  }
0x137: {  	v53 =	vsel vm10, $0x1, v2;
	vm10 =	vcmask $0x3F18;
	v16 =	vadd.s32 v16, v22  }
0x138: {  	v45 =	vsel vm4, $0x1, v2;
	vm4 =	vge.f32 v7, v1;
	v3 =	vadd.s32 v57, v3  }
0x139: {  	vm14 =	vmand vm15, vm10;
	vm15 =	vmand vm7, vm10;
	vm7 =	veq.f32 v54, v1  }
0x13a: {  	vm10 =	vgt.f32 v54, v0;
	v16 =	vadd.s32 v55, v16;
	v3 =	vadd.s32 v5, v3  }
0x13b: {  	v58 =	vsel vm4, $0x1, v2;
	vm12 =	vmor vm12, vm14;
	vm2 =	vmor vm2, vm15  }
0x13c: {  	vm14 =	vgt.f32 v56, v0;
	vm15 =	veq.f32 v56, v0;
	v16 =	vadd.s32 v52, v16  }
0x13d: {  	v42 =	vsel vm10, $0x1, v2;
	vm10 =	vcmask $0x3F0C;
	v60 =	vsel vm12, $0x1, v2  }
0x13e: {  	v61 =	vsel vm2, $0x1, v2;
	vm12 =	vgt.f32 v59, v1;
	vm2 =	veq.f32 v59, v1  }
0x13f: {  	v37 =	vadd.s32 v62, v16;
	vm15 =	vmand vm15, vm1;
	vm1 =	vmand vm7, vm1  }
0x140: {  	v36 =	vsel vm12, $0xFFFFFFFF, v63;
	vm12 =	vgt.f32 v59, v0;
	v6 =	vadd.s32 v60, v37  }
0x141: {  	vm1 =	vmor vm3, vm1;
	[tilespmem:$0x1FFF0] =	vst v36;
	v36 =	vsel vm9, $0x1, v2;
	vm9 =	vcmask $0x3F14  }
0x142: {  	v4 =	vadd.s32 v39, v6;
	v46 =	vsel vm12, $0x1, v2;
	vm12 =	veq.f32 v7, v0  }
0x143: {  	v6 =	vand.u32 $0xF, v43;
	v54 =	vsel vm1, $0x1, v2;
	vm13 =	vmand vm13, vm9  }
0x144: {  	vm6 =	vmand vm6, vm9;
	vm9 =	veq.f32 v40, v1;
	v47 =	vperm.xlane v1, v6  }
0x145: {  	v6 =	vperm.xlane v0, v6;
	v3 =	vadd.s32 v36, v3;
	vm0 =	vmor vm11, vm13  }
0x146: {  	[tilespmem:$0x1FFE0] =	vst v28;
	vm6 =	vmor vm5, vm6;
	vm11 =	vgt.f32 v27, v0;
	vm13 =	veq.f32 v27, v0  }
0x147: {  	v52 =	vld [tilespmem:$0x1FFE0];
	vm5 =	vge.f32 v27, v1;
	v3 =	vadd.s32 v53, v3;
	v41 =	vsel vm0, $0x1, v2  }
0x148: {  	vm0 =	vmor vm14, vm15;
	vm14 =	vgt.f32 v40, v0;
	vm15 =	vmand vm13, vm10  }
0x149: {  	vm3 =	vgt.f32 v47, v1;
	vm7 =	veq.f32 v47, v1;
	v3 =	vadd.s32 v45, v3  }
0x14a: {  	v53 =	vsel vm6, $0x1, v2;
	v55 =	vsel vm5, $0x1, v2;
	v4 =	vadd.s32 v41, v4  }
0x14b: {  	v44 =	vsel vm0, $0x1, v2;
	vm0 =	vgt.f32 v7, v0;
	vm13 =	vmor vm11, vm15  }
0x14c: {  	v56 =	vld [tilespmem:$0x1FFF0];
	vm11 =	vgt.f32 v47, v0;
	v49 =	vsel vm14, $0x1, v2;
	vm14 =	vnez.u8 v52  }
0x14d: {  	v3 =	vadd.s32 v61, v3;
	vm15 =	vmand vm2, vm10;
	vm10 =	vcmask $0x3F04  }
0x14e: {  	v4 =	vadd.s32 v42, v4;
	v48 =	vsel vm13, $0x1, v2;
	vm13 =	vcmask $0x3F08  }
0x14f: {  	v51 =	vsel vm11, $0x1, v2;
	vm11 =	vge.f32 v6, v1;
	v5 =	vsel vm14, $0x1, v2  }
0x150: {  	v4 =	vadd.s32 v44, v4;
	vm12 =	vmand vm12, vm13;
	v3 =	vadd.s32 v5, v3  }
0x151: {  	vm5 =	vnez.u8 v56;
	vm6 =	vmand vm9, vm13;
	vm13 =	vmand vm7, vm10  }
0x152: {  	v60 =	vsel vm11, $0x1, v2;
	v4 =	vadd.s32 v46, v4;
	vm0 =	vmor vm0, vm12  }
0x153: {  	vm12 =	veq.f32 v6, v0;
	v3 =	vadd.s32 v53, v3;
	vm1 =	vmor vm5, vm15  }
0x154: {  	vm9 =	vmor vm8, vm6;
	v4 =	vadd.s32 v48, v4;
	v50 =	vsel vm0, $0x1, v2  }
0x155: {  	vm0 =	vgt.f32 v6, v0;
	v3 =	vadd.s32 v55, v3;
	v57 =	vsel vm1, $0x1, v2  }
0x156: {  	vm12 =	vmand vm12, vm10;
	v59 =	vsel vm9, $0x1, v2;
	v3 =	vadd.s32 v54, v3  }
0x157: {  	vm1 =	vmor vm3, vm13;
	v4 =	vadd.s32 v49, v4;
	v3 =	vadd.s32 v58, v3  }
0x158: {  	vm0 =	vmor vm0, vm12;
	v4 =	vadd.s32 v50, v4;
	v3 =	vadd.s32 v57, v3  }
0x159: {  	v61 =	vsel vm0, $0x1, v2;
	v4 =	vadd.s32 v51, v4;
	v3 =	vadd.s32 v60, v3  }
0x15a: {  	v2 =	vsel vm1, $0x1, v2;
	v4 =	vadd.s32 v61, v4;
	v3 =	vadd.s32 v59, v3  }
0x15b: {  	v62 =	vimm.f32 $0.0e+00;
	vm14 =	vlt.s32 v4, $0x40;
	v2 =	vadd.s32 v2, v3  }
0x15c: {  	v63 =	vsel vm14, $0x3F800000, v62;
	vm15 =	vlt.s32 v2, $0x40  }
0x15d: {  	v2 =	vadd.f32 v63, v0;
	v3 =	vsel vm15, $0x3F800000, v62  }
0x15e: {  	v3 =	vadd.f32 v3, v1  }
0x15f: {  	v0 =	vsub.f32 v2, v0  }
0x160: {  	v1 =	vsub.f32 v3, v1  }
0x161: {  	[tilespmem:$0x200] =	vst v0  }
0x162: {  	s3 =	simm.s32 $0x0;
	s4 =	simm.s32 $0x200;
	s31 =	simm.s32 $0x1;
	[tilespmem:$0x210] =	vst v1  }
0x163: {  	[hbm4b:s2+s3] =	stream.linear.scatter [tilespmem:s4], [sflag:$0x1], $0x20, $0x38;
	[tilespmem:$0x280] =	vst v63  }
0x164: {  	_ =	swait.ge [sflag:s31], $0x20  }
0x165: {  	[sflag:s31] =	ssyncset.done $0x0  }
0x166: {  	[sflag:s31] =	ssyncadd.s32 $0xFFFFFFE0  }
0x167: {  	_ =	sfence.sel $0x180000  }
0x168: {  	[bflag:$0x0] =	sbarrier.arrive $0xFFFF  }
0x169: {  	p0 =	sne.s32 s1, $0x0;
	_ =	strace $0x90000047  }
0x16a: {  	s0 =	sadd.s32 @!p0 $0x100000, s0;
	[bflag:$0x2] =	sbarrier.arrive $0xFFFF  }
0x16b: {  	[sflag:s0] =	ssyncadd.tile.s32 @!p0 $0x1;
	_ =	shalt  }
.Lfunc_end2:
_tile_overlayer_lowered:
.L_overlay_start_2:
0x16c: {  	(tag) =	ssettag $0x2  }
0x16d: {  	s0 =	rddreg [dreg:$0x0];
	s2 =	stileid.u32  }
0x16e: {  	s1 =	rddreg [dreg:$0x1];
	p0 =	sne.s32 s2, $0x0  }
0x16f: {  	s3 =	rddreg [dreg:$0x2];
	[bflag:$0x3] =	sbarrier.arrive $0xFFFF;
	s2 =	simm.s32 @!p0 $0x1C01  }
0x170: {  	[timem:s3], [sflag:s2] =	dma.local @!p0 [hbm:s0], s1  }
0x171: {  	s0 =	simm.s32 @!p0 $0x1  }
0x172: {  	_ =	swait.ge @!p0 [sflag:s0], s1  }
0x173: {  	s1 =	ssub.s32 @!p0 $0x0, s1;
	[sflag:s0] =	ssyncset.done @!p0 $0x0  }
0x174: {  	[sflag:s0] =	ssyncadd.s32 @!p0 s1  }
0x175: {  	[bflag:$0x3] =	sbarrier.arrive $0xFFFF  }
0x176: {  	_ =	shalt  }

</sc_bundles>
